<compile_context>
chip_gen: v7x
topology: tpu7x:2x2x1
jax: 0.10.2.dev20260603
libtpu: 0.0.44.dev20260713+nightly
codegen_flags: <defaults>
</compile_context>

<pallas_src>
import jax
import jax.numpy as jnp
from jax import lax
from jax.experimental import pallas as pl
from jax.experimental.pallas import tpu as pltpu
from jax.experimental.pallas import tpu_sc as plsc

M = 8192
T = 8
K = 2048
NW = 32
RW = M // NW
C = 2
NCHUNK = RW // C
NPAIR = NCHUNK // 2
GC = C * T
NS = K // 16


def _body(expert_hbm, w_hbm, inv_hbm, out_hbm,
          idx_v, idx2_v, w_v, buf0, buf1, stage0, stage1,
          gsem0, gsem1):
    nc = 2
    wid = lax.axis_index("s") * nc + lax.axis_index("c")
    base_row = wid * RW
    base_g = base_row * T

    pltpu.sync_copy(inv_hbm.at[pl.ds(base_g, RW * T)], idx_v)
    pltpu.sync_copy(
        w_hbm.bitcast(jnp.int32).at[
            pl.ds(pl.multiple_of(base_row // 2, 4), RW // 2)
        ],
        w_v,
    )

    def shift_body(i, _):
        idx2_v[pl.ds(i * 16, 16)] = (
            lax.shift_right_logical(idx_v[pl.ds(i * 16, 16)], 1)
        )
        return 0

    lax.fori_loop(0, RW * T // 16, shift_body, 0)

    rec_hbm = expert_hbm.bitcast(jnp.int32)

    def start_gather(c, buf, sem):
        return pltpu.async_copy(
            rec_hbm.at[idx2_v.at[pl.ds(c * GC, GC)]], buf, sem
        )

    def fold(acc):
        v = plsc.bitcast(acc, jnp.int32)
        lo = plsc.bitcast(lax.shift_left(v, 16), jnp.float32)
        hi = plsc.bitcast(v & -65536, jnp.float32)
        u = plsc.bitcast(lo + hi, jnp.int32)
        u = u + 32767 + (lax.shift_right_logical(u, 16) & 1)
        return u

    def compute(c, buf, stage):
        wmask = []
        for jl in range(GC):
            r, t = jl // T, jl % T
            ww = plsc.load_gather(
                w_v,
                [jnp.full((16,), c, jnp.int32), jnp.full((16,), t, jnp.int32)],
            )
            wlow = (
                ww & 0xFFFF if r == 0 else lax.shift_right_logical(ww, 16)
            )
            par = (
                plsc.load_gather(
                    idx_v, [jnp.full((16,), c * GC + jl, jnp.int32)]
                )
                & 1
            )
            wm = jnp.where(par == 0, wlow, lax.shift_left(wlow, 16))
            wmask.append(plsc.bitcast(wm, jnp.bfloat16))

        @plsc.parallel_loop(0, NS, unroll=2)
        def slice_body(s, wmask=wmask):
            k0 = s * 16
            acc0 = plsc.bitcast(buf[0, pl.ds(k0, 16)], jnp.bfloat16) * wmask[0]
            acc1 = plsc.bitcast(buf[T, pl.ds(k0, 16)], jnp.bfloat16) * wmask[T]
            for t in range(1, T):
                acc0 = acc0 + plsc.bitcast(
                    buf[t, pl.ds(k0, 16)], jnp.bfloat16
                ) * wmask[t]
                acc1 = acc1 + plsc.bitcast(
                    buf[T + t, pl.ds(k0, 16)], jnp.bfloat16
                ) * wmask[T + t]
            w0 = lax.shift_right_logical(fold(acc0), 16)
            w1 = fold(acc1) & -65536
            stage[pl.ds(k0, 16)] = w0 | w1

    outw_hbm = out_hbm.bitcast(jnp.int32)
    base_pair = base_row // 2

    start_gather(0, buf0, gsem0)

    def pair_body(cp, _):
        c0 = cp * 2
        c1 = c0 + 1
        g1 = start_gather(c1, buf1, gsem1)
        pltpu.make_async_copy(
            rec_hbm.at[idx2_v.at[pl.ds(c0 * GC, GC)]], buf0, gsem0
        ).wait()
        compute(c0, buf0, stage0)
        pltpu.sync_copy(stage0, outw_hbm.at[base_pair + c0])
        start_gather(jnp.where(c0 + 2 < NCHUNK, c0 + 2, 0), buf0, gsem0)
        g1.wait()
        compute(c1, buf1, stage1)
        pltpu.sync_copy(stage1, outw_hbm.at[base_pair + c1])
        return 0

    lax.fori_loop(0, NPAIR, pair_body, 0)
    pltpu.make_async_copy(
        rec_hbm.at[idx2_v.at[pl.ds(0, GC)]], buf0, gsem0
    ).wait()


@jax.jit
def _run(expert_bf, topk_vals, inv_perm):
    mesh = plsc.VectorSubcoreMesh(core_axis_name="c", subcore_axis_name="s")
    return pl.kernel(
        _body,
        out_type=jax.ShapeDtypeStruct((M, K), jnp.bfloat16),
        mesh=mesh,
        compiler_params=pltpu.CompilerParams(
            needs_layout_passes=False, use_tc_tiling_on_sc=True
        ),
        scratch_types=[
            pltpu.VMEM((RW * T,), jnp.int32),
            pltpu.VMEM((RW * T,), jnp.int32),
            pltpu.VMEM((RW // 2, T), jnp.int32),
            pltpu.VMEM((GC, K), jnp.int32),
            pltpu.VMEM((GC, K), jnp.int32),
            pltpu.VMEM((K,), jnp.int32),
            pltpu.VMEM((K,), jnp.int32),
            pltpu.SemaphoreType.DMA,
            pltpu.SemaphoreType.DMA,
        ],
    )(expert_bf, topk_vals, inv_perm)


def kernel(expert_output, topk_vals, inv_perm):
    return _run(expert_output, topk_vals, inv_perm)

# --- scband reference (transcript-rebuilt; emitter-appended) ---
"""Pipeline reference for scband-model-new-25056839204959 (READ-ONLY COPY).

The authoritative reference and input builder live on the scoring server;
editing this copy changes nothing except your own understanding.
"""

import jax, jax.numpy as jnp
import numpy as np

M = 8192
T = 8
K = 2048

def setup_inputs(seed: int = 0) -> dict:
    key = jax.random.key(seed)
    k1, k2, k3 = jax.random.split(key, 3)
    expert_output = (jax.random.normal(k1, (M * T, K), dtype=jnp.float32)).astype(jnp.bfloat16)
    topk_vals = (jax.random.uniform(k2, (M, T), dtype=jnp.float32)).astype(jnp.bfloat16)
    # inverse permutation mapping (m, t) -> row in permuted expert_output
    inv_perm = jax.random.permutation(k3, M * T).astype(jnp.int32)
    return {"expert_output": expert_output, "topk_vals": topk_vals, "inv_perm": inv_perm}

def reference(expert_output, topk_vals, inv_perm):
    # out[m, k] = sum_t expert_output[inv_perm[m*T + t], k] * topk_vals[m, t]
    m, t = topk_vals.shape
    idx = inv_perm.reshape(m, t)
    gathered = jnp.take(expert_output, idx, axis=0)  # [M, T, K]
    acc = jnp.sum(gathered.astype(jnp.float32) * topk_vals.astype(jnp.float32)[:, :, None], axis=1)
    return acc.astype(jnp.bfloat16)

if __name__ == "__main__":
    import jax
    _d = setup_inputs()
    print(jax.jit(kernel)(*tuple(_d.values())))

</pallas_src>

<mosaic_0001>
#map = affine_map<(d0, d1) -> (0, 0)>
#map1 = affine_map<(d0, d1) -> (0)>
module attributes {stable_mosaic.version = 14 : i64} {
  func.func @_body(%arg0: i32, %arg1: i32, %arg2: memref<65536x2048xbf16, #tpu.memory_space<hbm>>, %arg3: memref<8192x8xbf16, #tpu.memory_space<hbm>>, %arg4: memref<65536xi32, #tpu.memory_space<hbm>>, %arg5: memref<8192x2048xbf16, #tpu.memory_space<hbm>>, %arg6: memref<2048xi32, #tpu.memory_space<vmem>>, %arg7: memref<2048xi32, #tpu.memory_space<vmem>>, %arg8: memref<128x8xi32, #tpu.memory_space<vmem>>, %arg9: memref<16x2048xi32, #tpu.memory_space<vmem>>, %arg10: memref<16x2048xi32, #tpu.memory_space<vmem>>, %arg11: memref<2048xi32, #tpu.memory_space<vmem>>, %arg12: memref<2048xi32, #tpu.memory_space<vmem>>, %arg13: memref<!tpu.dma_semaphore, #tpu.memory_space<semaphore_mem>>, %arg14: memref<!tpu.dma_semaphore, #tpu.memory_space<semaphore_mem>>) attributes {dimension_semantics = [#tpu.dimension_semantics<core_parallel>, #tpu.dimension_semantics<subcore_parallel>], iteration_bounds = array<i64: 2, 16>, scalar_prefetch = 0 : i64, scratch_operands = 9 : i64, tpu.core_type = #tpu.core_type<sc_vector_subcore>, window_params = [{transform_indices = #map}, {transform_indices = #map}, {transform_indices = #map1}, {transform_indices = #map}]} {
    %mul3A = arith.constant 2 : i32
    %mul3A_0 = arith.muli %arg1, %mul3A : i32
    %add3A = arith.addi %mul3A_0, %arg0 : i32
    %mul3A_1 = arith.constant 256 : i32
    %mul3A_2 = arith.muli %add3A, %mul3A_1 : i32
    %mul3A_3 = arith.constant 8 : i32
    %mul3A_4 = arith.muli %mul3A_2, %mul3A_3 : i32
    "tpu.region"() ({
      %run_scoped3A = tpu.sem_alloc : memref<!tpu.dma_semaphore, #tpu.memory_space<semaphore_mem>>
      %dma_start3A_68 = tpu.memref_slice %arg4[%mul3A_4] : memref<65536xi32, #tpu.memory_space<hbm>> -> memref<2048xi32, #tpu.memory_space<hbm>>
      %dma_start3A_69 = tpu.memref_slice %arg4[%mul3A_4] : memref<65536xi32, #tpu.memory_space<hbm>> -> memref<2048xi32, #tpu.memory_space<hbm>>
      tpu.enqueue_dma source(%dma_start3A_69 : memref<2048xi32, #tpu.memory_space<hbm>>) target(%arg6 : memref<2048xi32, #tpu.memory_space<vmem>>) target_semaphore(%run_scoped3A : memref<!tpu.dma_semaphore, #tpu.memory_space<semaphore_mem>>)
      %dma_wait3A_70 = tpu.memref_slice %arg4[%mul3A_4] : memref<65536xi32, #tpu.memory_space<hbm>> -> memref<2048xi32, #tpu.memory_space<hbm>>
      %dma_wait3A_71 = tpu.memref_slice %arg4[%mul3A_4] : memref<65536xi32, #tpu.memory_space<hbm>> -> memref<2048xi32, #tpu.memory_space<hbm>>
      tpu.wait_dma2 semaphore(%run_scoped3A : memref<!tpu.dma_semaphore, #tpu.memory_space<semaphore_mem>>) src(%dma_wait3A_71 : memref<2048xi32, #tpu.memory_space<hbm>>) dst(%arg6 : memref<2048xi32, #tpu.memory_space<vmem>>)
      tpu.yield
    }) : () -> ()
    %jit3A = arith.constant 2 : i32
    %div3A = arith.divsi %mul3A_2, %jit3A : i32
    %sign3A = arith.constant 0 : i32
    %sign3A_5 = arith.cmpi sgt, %mul3A_2, %sign3A : i32
    %sign3A_6 = arith.extui %sign3A_5 : i1 to i32
    %sign3A_7 = arith.constant 0 : i32
    %sign3A_8 = arith.cmpi slt, %mul3A_2, %sign3A_7 : i32
    %sign3A_9 = arith.extui %sign3A_8 : i1 to i32
    %sign3A_10 = arith.subi %sign3A_6, %sign3A_9 : i32
    %sign3A_11 = arith.constant 0 : i32
    %sign3A_12 = arith.cmpi sgt, %jit3A, %sign3A_11 : i32
    %sign3A_13 = arith.extui %sign3A_12 : i1 to i32
    %sign3A_14 = arith.constant 0 : i32
    %sign3A_15 = arith.cmpi slt, %jit3A, %sign3A_14 : i32
    %sign3A_16 = arith.extui %sign3A_15 : i1 to i32
    %sign3A_17 = arith.subi %sign3A_13, %sign3A_16 : i32
    %ne3A = arith.cmpi ne, %sign3A_10, %sign3A_17 : i32
    %rem3A = arith.remsi %mul3A_2, %jit3A : i32
    %ne3A_18 = arith.constant 0 : i32
    %ne3A_19 = arith.cmpi ne, %rem3A, %ne3A_18 : i32
    %and3A = arith.andi %ne3A, %ne3A_19 : i1
    %sub3A = arith.constant 1 : i32
    %sub3A_20 = arith.subi %div3A, %sub3A : i32
    %select_n3A = arith.select %and3A, %sub3A_20, %div3A : i32
    %multiple_of3A = tpu.assume_multiple %select_n3A, 4 : i32
    "tpu.region"() ({
      %run_scoped3A = tpu.sem_alloc : memref<!tpu.dma_semaphore, #tpu.memory_space<semaphore_mem>>
      %dma_start3A_68 = tpu.memref_bitcast %arg3 : memref<8192x8xbf16, #tpu.memory_space<hbm>> -> memref<4096x8xi32, #tpu.memory_space<hbm>>
      %dma_start3A_69 = arith.constant 0 : i32
      %dma_start3A_70 = tpu.memref_slice %dma_start3A_68[%multiple_of3A, %dma_start3A_69] : memref<4096x8xi32, #tpu.memory_space<hbm>> -> memref<128x8xi32, #tpu.memory_space<hbm>>
      %dma_start3A_71 = tpu.memref_bitcast %arg3 : memref<8192x8xbf16, #tpu.memory_space<hbm>> -> memref<4096x8xi32, #tpu.memory_space<hbm>>
      %dma_start3A_72 = arith.constant 0 : i32
      %dma_start3A_73 = tpu.memref_slice %dma_start3A_71[%multiple_of3A, %dma_start3A_72] : memref<4096x8xi32, #tpu.memory_space<hbm>> -> memref<128x8xi32, #tpu.memory_space<hbm>>
      tpu.enqueue_dma source(%dma_start3A_73 : memref<128x8xi32, #tpu.memory_space<hbm>>) target(%arg8 : memref<128x8xi32, #tpu.memory_space<vmem>>) target_semaphore(%run_scoped3A : memref<!tpu.dma_semaphore, #tpu.memory_space<semaphore_mem>>)
      %dma_wait3A_74 = tpu.memref_bitcast %arg3 : memref<8192x8xbf16, #tpu.memory_space<hbm>> -> memref<4096x8xi32, #tpu.memory_space<hbm>>
      %dma_wait3A_75 = arith.constant 0 : i32
      %dma_wait3A_76 = tpu.memref_slice %dma_wait3A_74[%multiple_of3A, %dma_wait3A_75] : memref<4096x8xi32, #tpu.memory_space<hbm>> -> memref<128x8xi32, #tpu.memory_space<hbm>>
      %dma_wait3A_77 = tpu.memref_bitcast %arg3 : memref<8192x8xbf16, #tpu.memory_space<hbm>> -> memref<4096x8xi32, #tpu.memory_space<hbm>>
      %dma_wait3A_78 = arith.constant 0 : i32
      %dma_wait3A_79 = tpu.memref_slice %dma_wait3A_77[%multiple_of3A, %dma_wait3A_78] : memref<4096x8xi32, #tpu.memory_space<hbm>> -> memref<128x8xi32, #tpu.memory_space<hbm>>
      tpu.wait_dma2 semaphore(%run_scoped3A : memref<!tpu.dma_semaphore, #tpu.memory_space<semaphore_mem>>) src(%dma_wait3A_79 : memref<128x8xi32, #tpu.memory_space<hbm>>) dst(%arg8 : memref<128x8xi32, #tpu.memory_space<vmem>>)
      tpu.yield
    }) : () -> ()
    %scan3A = arith.constant 0 : i32
    %scan3A_21 = arith.constant 0 : i32
    %scan3A_22 = arith.constant 128 : i32
    %scan3A_23 = arith.addi %scan3A_21, %scan3A_22 : i32
    %scan3A_24 = arith.constant 1 : i32
    %scan3A_25 = scf.for %scan3A_68 = %scan3A_21 to %scan3A_23 step %scan3A_24 iter_args(%scan3A_69 = %scan3A) -> (i32)  : i32 {
      %mul3A_70 = arith.constant 16 : i32
      %mul3A_71 = arith.muli %scan3A_68, %mul3A_70 : i32
      %get3A = arith.index_cast %mul3A_71 : i32 to index
      %get3A_72 = tpu.vector_load %arg6[%get3A] {strides = array<i32>} : memref<2048xi32, #tpu.memory_space<vmem>>, vector<16xi32>,
      %shift_right_logical3A = arith.constant 1 : i32
      %shift_right_logical3A_73 = vector.broadcast %shift_right_logical3A : i32 to vector<16xi32>
      %shift_right_logical3A_74 = arith.shrui %get3A_72, %shift_right_logical3A_73 : vector<16xi32>
      %mul3A_75 = arith.constant 16 : i32
      %mul3A_76 = arith.muli %scan3A_68, %mul3A_75 : i32
      %swap3A = arith.index_cast %mul3A_76 : i32 to index
      %swap3A_77 = tpu.vector_load %arg7[%swap3A] {strides = array<i32>} : memref<2048xi32, #tpu.memory_space<vmem>>, vector<16xi32>,
      tpu.vector_store %arg7[%swap3A], %shift_right_logical3A_74 {strides = array<i32>} : memref<2048xi32, #tpu.memory_space<vmem>>, vector<16xi32>,
      %scan3A_78 = arith.constant 0 : i32
      scf.yield %scan3A_78 : i32
    }
    %scan3A_26 = arith.constant 128 : i32
    %jit3A_27 = arith.constant 2 : i32
    %div3A_28 = arith.divsi %mul3A_2, %jit3A_27 : i32
    %sign3A_29 = arith.constant 0 : i32
    %sign3A_30 = arith.cmpi sgt, %mul3A_2, %sign3A_29 : i32
    %sign3A_31 = arith.extui %sign3A_30 : i1 to i32
    %sign3A_32 = arith.constant 0 : i32
    %sign3A_33 = arith.cmpi slt, %mul3A_2, %sign3A_32 : i32
    %sign3A_34 = arith.extui %sign3A_33 : i1 to i32
    %sign3A_35 = arith.subi %sign3A_31, %sign3A_34 : i32
    %sign3A_36 = arith.constant 0 : i32
    %sign3A_37 = arith.cmpi sgt, %jit3A_27, %sign3A_36 : i32
    %sign3A_38 = arith.extui %sign3A_37 : i1 to i32
    %sign3A_39 = arith.constant 0 : i32
    %sign3A_40 = arith.cmpi slt, %jit3A_27, %sign3A_39 : i32
    %sign3A_41 = arith.extui %sign3A_40 : i1 to i32
    %sign3A_42 = arith.subi %sign3A_38, %sign3A_41 : i32
    %ne3A_43 = arith.cmpi ne, %sign3A_35, %sign3A_42 : i32
    %rem3A_44 = arith.remsi %mul3A_2, %jit3A_27 : i32
    %ne3A_45 = arith.constant 0 : i32
    %ne3A_46 = arith.cmpi ne, %rem3A_44, %ne3A_45 : i32
    %and3A_47 = arith.andi %ne3A_43, %ne3A_46 : i1
    %sub3A_48 = arith.constant 1 : i32
    %sub3A_49 = arith.subi %div3A_28, %sub3A_48 : i32
    %select_n3A_50 = arith.select %and3A_47, %sub3A_49, %div3A_28 : i32
    %dma_start3A = arith.constant 0 : i32
    %dma_start3A_51 = tpu.memref_slice %arg7[%dma_start3A] : memref<2048xi32, #tpu.memory_space<vmem>> -> memref<16xi32, #tpu.memory_space<vmem>>
    %dma_start3A_52 = tpu.memref_bitcast %arg2 : memref<65536x2048xbf16, #tpu.memory_space<hbm>> -> memref<32768x2048xi32, #tpu.memory_space<hbm>>
    %dma_start3A_53 = arith.constant 0 : i32
    %dma_start3A_54 = arith.constant 0 : i32
    %dma_start3A_55 = tpu.memref_slice %dma_start3A_52[%dma_start3A_53, %dma_start3A_54] : memref<32768x2048xi32, #tpu.memory_space<hbm>> -> memref<32768x2048xi32, #tpu.memory_space<hbm>>
    tpu.enqueue_indirect_dma source(%dma_start3A_55 : memref<32768x2048xi32, #tpu.memory_space<hbm>>) target(%arg9 : memref<16x2048xi32, #tpu.memory_space<vmem>>) offsets(%dma_start3A_51 : memref<16xi32, #tpu.memory_space<vmem>>) semaphore(%arg13 : memref<!tpu.dma_semaphore, #tpu.memory_space<semaphore_mem>>)
    %scan3A_56 = arith.constant 0 : i32
    %scan3A_57 = arith.constant 0 : i32
    %scan3A_58 = arith.constant 64 : i32
    %scan3A_59 = arith.addi %scan3A_57, %scan3A_58 : i32
    %scan3A_60 = arith.constant 1 : i32
    %scan3A_61 = scf.for %scan3A_68 = %scan3A_57 to %scan3A_59 step %scan3A_60 iter_args(%scan3A_69 = %scan3A_56) -> (i32)  : i32 {
      %mul3A_70 = arith.constant 2 : i32
      %mul3A_71 = arith.muli %scan3A_68, %mul3A_70 : i32
      %add3A_72 = arith.constant 1 : i32
      %add3A_73 = arith.addi %mul3A_71, %add3A_72 : i32
      %mul3A_74 = arith.constant 16 : i32
      %mul3A_75 = arith.muli %add3A_73, %mul3A_74 : i32
      %dma_start3A_76 = tpu.memref_slice %arg7[%mul3A_75] : memref<2048xi32, #tpu.memory_space<vmem>> -> memref<16xi32, #tpu.memory_space<vmem>>
      %dma_start3A_77 = tpu.memref_bitcast %arg2 : memref<65536x2048xbf16, #tpu.memory_space<hbm>> -> memref<32768x2048xi32, #tpu.memory_space<hbm>>
      %dma_start3A_78 = arith.constant 0 : i32
      %dma_start3A_79 = arith.constant 0 : i32
      %dma_start3A_80 = tpu.memref_slice %dma_start3A_77[%dma_start3A_78, %dma_start3A_79] : memref<32768x2048xi32, #tpu.memory_space<hbm>> -> memref<32768x2048xi32, #tpu.memory_space<hbm>>
      tpu.enqueue_indirect_dma source(%dma_start3A_80 : memref<32768x2048xi32, #tpu.memory_space<hbm>>) target(%arg10 : memref<16x2048xi32, #tpu.memory_space<vmem>>) offsets(%dma_start3A_76 : memref<16xi32, #tpu.memory_space<vmem>>) semaphore(%arg14 : memref<!tpu.dma_semaphore, #tpu.memory_space<semaphore_mem>>)
      %mul3A_81 = arith.constant 16 : i32
      %mul3A_82 = arith.muli %mul3A_71, %mul3A_81 : i32
      %dma_wait3A_83 = tpu.memref_slice %arg7[%mul3A_82] : memref<2048xi32, #tpu.memory_space<vmem>> -> memref<16xi32, #tpu.memory_space<vmem>>
      %dma_wait3A_84 = tpu.memref_bitcast %arg2 : memref<65536x2048xbf16, #tpu.memory_space<hbm>> -> memref<32768x2048xi32, #tpu.memory_space<hbm>>
      %dma_wait3A_85 = arith.constant 0 : i32
      %dma_wait3A_86 = arith.constant 0 : i32
      %dma_wait3A_87 = tpu.memref_slice %dma_wait3A_84[%dma_wait3A_85, %dma_wait3A_86] : memref<32768x2048xi32, #tpu.memory_space<hbm>> -> memref<32768x2048xi32, #tpu.memory_space<hbm>>
      tpu.wait_indirect_dma semaphore(%arg13 : memref<!tpu.dma_semaphore, #tpu.memory_space<semaphore_mem>>) src(%dma_wait3A_87 : memref<32768x2048xi32, #tpu.memory_space<hbm>>) dst(%arg9 : memref<16x2048xi32, #tpu.memory_space<vmem>>)
      %broadcast_in_dim3A = vector.broadcast %mul3A_71 : i32 to vector<16xi32>
      %broadcast_in_dim3A_88 = arith.constant 0 : i32
      %broadcast_in_dim3A_89 = vector.broadcast %broadcast_in_dim3A_88 : i32 to vector<16xi32>
      %gather3A = tpu.vector_load_idx %arg8[%broadcast_in_dim3A, %broadcast_in_dim3A_89] : memref<128x8xi32, #tpu.memory_space<vmem>>[vector<16xi32>, vector<16xi32>], vector<16xi32>,
      %and3A_90 = arith.constant 65535 : i32
      %and3A_91 = vector.broadcast %and3A_90 : i32 to vector<16xi32>
      %and3A_92 = arith.andi %gather3A, %and3A_91 : vector<16xi32>
      %mul3A_93 = arith.constant 16 : i32
      %mul3A_94 = arith.muli %mul3A_71, %mul3A_93 : i32
      %add3A_95 = arith.constant 0 : i32
      %add3A_96 = arith.addi %mul3A_94, %add3A_95 : i32
      %broadcast_in_dim3A_97 = vector.broadcast %add3A_96 : i32 to vector<16xi32>
      %gather3A_98 = tpu.vector_load_idx %arg6[%broadcast_in_dim3A_97] : memref<2048xi32, #tpu.memory_space<vmem>>[vector<16xi32>], vector<16xi32>,
      %and3A_99 = arith.constant 1 : i32
      %and3A_100 = vector.broadcast %and3A_99 : i32 to vector<16xi32>
      %and3A_101 = arith.andi %gather3A_98, %and3A_100 : vector<16xi32>
      %eq3A = arith.constant 0 : i32
      %eq3A_102 = vector.broadcast %eq3A : i32 to vector<16xi32>
      %eq3A_103 = arith.cmpi eq, %and3A_101, %eq3A_102 : vector<16xi32>
      %shift_left3A = arith.constant 16 : i32
      %shift_left3A_104 = vector.broadcast %shift_left3A : i32 to vector<16xi32>
      %shift_left3A_105 = arith.shli %and3A_92, %shift_left3A_104 : vector<16xi32>
      %select_n3A_106 = arith.select %eq3A_103, %and3A_92, %shift_left3A_105 : vector<16xi1>, vector<16xi32>
      %bitcast3A = vector.bitcast %select_n3A_106 : vector<16xi32> to vector<32xbf16>
      %broadcast_in_dim3A_107 = vector.broadcast %mul3A_71 : i32 to vector<16xi32>
      %broadcast_in_dim3A_108 = arith.constant 1 : i32
      %broadcast_in_dim3A_109 = vector.broadcast %broadcast_in_dim3A_108 : i32 to vector<16xi32>
      %gather3A_110 = tpu.vector_load_idx %arg8[%broadcast_in_dim3A_107, %broadcast_in_dim3A_109] : memref<128x8xi32, #tpu.memory_space<vmem>>[vector<16xi32>, vector<16xi32>], vector<16xi32>,
      %and3A_111 = arith.constant 65535 : i32
      %and3A_112 = vector.broadcast %and3A_111 : i32 to vector<16xi32>
      %and3A_113 = arith.andi %gather3A_110, %and3A_112 : vector<16xi32>
      %mul3A_114 = arith.constant 16 : i32
      %mul3A_115 = arith.muli %mul3A_71, %mul3A_114 : i32
      %add3A_116 = arith.constant 1 : i32
      %add3A_117 = arith.addi %mul3A_115, %add3A_116 : i32
      %broadcast_in_dim3A_118 = vector.broadcast %add3A_117 : i32 to vector<16xi32>
      %gather3A_119 = tpu.vector_load_idx %arg6[%broadcast_in_dim3A_118] : memref<2048xi32, #tpu.memory_space<vmem>>[vector<16xi32>], vector<16xi32>,
      %and3A_120 = arith.constant 1 : i32
      %and3A_121 = vector.broadcast %and3A_120 : i32 to vector<16xi32>
      %and3A_122 = arith.andi %gather3A_119, %and3A_121 : vector<16xi32>
      %eq3A_123 = arith.constant 0 : i32
      %eq3A_124 = vector.broadcast %eq3A_123 : i32 to vector<16xi32>
      %eq3A_125 = arith.cmpi eq, %and3A_122, %eq3A_124 : vector<16xi32>
      %shift_left3A_126 = arith.constant 16 : i32
      %shift_left3A_127 = vector.broadcast %shift_left3A_126 : i32 to vector<16xi32>
      %shift_left3A_128 = arith.shli %and3A_113, %shift_left3A_127 : vector<16xi32>
      %select_n3A_129 = arith.select %eq3A_125, %and3A_113, %shift_left3A_128 : vector<16xi1>, vector<16xi32>
      %bitcast3A_130 = vector.bitcast %select_n3A_129 : vector<16xi32> to vector<32xbf16>
      %broadcast_in_dim3A_131 = vector.broadcast %mul3A_71 : i32 to vector<16xi32>
      %broadcast_in_dim3A_132 = arith.constant 2 : i32
      %broadcast_in_dim3A_133 = vector.broadcast %broadcast_in_dim3A_132 : i32 to vector<16xi32>
      %gather3A_134 = tpu.vector_load_idx %arg8[%broadcast_in_dim3A_131, %broadcast_in_dim3A_133] : memref<128x8xi32, #tpu.memory_space<vmem>>[vector<16xi32>, vector<16xi32>], vector<16xi32>,
      %and3A_135 = arith.constant 65535 : i32
      %and3A_136 = vector.broadcast %and3A_135 : i32 to vector<16xi32>
      %and3A_137 = arith.andi %gather3A_134, %and3A_136 : vector<16xi32>
      %mul3A_138 = arith.constant 16 : i32
      %mul3A_139 = arith.muli %mul3A_71, %mul3A_138 : i32
      %add3A_140 = arith.constant 2 : i32
      %add3A_141 = arith.addi %mul3A_139, %add3A_140 : i32
      %broadcast_in_dim3A_142 = vector.broadcast %add3A_141 : i32 to vector<16xi32>
      %gather3A_143 = tpu.vector_load_idx %arg6[%broadcast_in_dim3A_142] : memref<2048xi32, #tpu.memory_space<vmem>>[vector<16xi32>], vector<16xi32>,
      %and3A_144 = arith.constant 1 : i32
      %and3A_145 = vector.broadcast %and3A_144 : i32 to vector<16xi32>
      %and3A_146 = arith.andi %gather3A_143, %and3A_145 : vector<16xi32>
      %eq3A_147 = arith.constant 0 : i32
      %eq3A_148 = vector.broadcast %eq3A_147 : i32 to vector<16xi32>
      %eq3A_149 = arith.cmpi eq, %and3A_146, %eq3A_148 : vector<16xi32>
      %shift_left3A_150 = arith.constant 16 : i32
      %shift_left3A_151 = vector.broadcast %shift_left3A_150 : i32 to vector<16xi32>
      %shift_left3A_152 = arith.shli %and3A_137, %shift_left3A_151 : vector<16xi32>
      %select_n3A_153 = arith.select %eq3A_149, %and3A_137, %shift_left3A_152 : vector<16xi1>, vector<16xi32>
      %bitcast3A_154 = vector.bitcast %select_n3A_153 : vector<16xi32> to vector<32xbf16>
      %broadcast_in_dim3A_155 = vector.broadcast %mul3A_71 : i32 to vector<16xi32>
      %broadcast_in_dim3A_156 = arith.constant 3 : i32
      %broadcast_in_dim3A_157 = vector.broadcast %broadcast_in_dim3A_156 : i32 to vector<16xi32>
      %gather3A_158 = tpu.vector_load_idx %arg8[%broadcast_in_dim3A_155, %broadcast_in_dim3A_157] : memref<128x8xi32, #tpu.memory_space<vmem>>[vector<16xi32>, vector<16xi32>], vector<16xi32>,
      %and3A_159 = arith.constant 65535 : i32
      %and3A_160 = vector.broadcast %and3A_159 : i32 to vector<16xi32>
      %and3A_161 = arith.andi %gather3A_158, %and3A_160 : vector<16xi32>
      %mul3A_162 = arith.constant 16 : i32
      %mul3A_163 = arith.muli %mul3A_71, %mul3A_162 : i32
      %add3A_164 = arith.constant 3 : i32
      %add3A_165 = arith.addi %mul3A_163, %add3A_164 : i32
      %broadcast_in_dim3A_166 = vector.broadcast %add3A_165 : i32 to vector<16xi32>
      %gather3A_167 = tpu.vector_load_idx %arg6[%broadcast_in_dim3A_166] : memref<2048xi32, #tpu.memory_space<vmem>>[vector<16xi32>], vector<16xi32>,
      %and3A_168 = arith.constant 1 : i32
      %and3A_169 = vector.broadcast %and3A_168 : i32 to vector<16xi32>
      %and3A_170 = arith.andi %gather3A_167, %and3A_169 : vector<16xi32>
      %eq3A_171 = arith.constant 0 : i32
      %eq3A_172 = vector.broadcast %eq3A_171 : i32 to vector<16xi32>
      %eq3A_173 = arith.cmpi eq, %and3A_170, %eq3A_172 : vector<16xi32>
      %shift_left3A_174 = arith.constant 16 : i32
      %shift_left3A_175 = vector.broadcast %shift_left3A_174 : i32 to vector<16xi32>
      %shift_left3A_176 = arith.shli %and3A_161, %shift_left3A_175 : vector<16xi32>
      %select_n3A_177 = arith.select %eq3A_173, %and3A_161, %shift_left3A_176 : vector<16xi1>, vector<16xi32>
      %bitcast3A_178 = vector.bitcast %select_n3A_177 : vector<16xi32> to vector<32xbf16>
      %broadcast_in_dim3A_179 = vector.broadcast %mul3A_71 : i32 to vector<16xi32>
      %broadcast_in_dim3A_180 = arith.constant 4 : i32
      %broadcast_in_dim3A_181 = vector.broadcast %broadcast_in_dim3A_180 : i32 to vector<16xi32>
      %gather3A_182 = tpu.vector_load_idx %arg8[%broadcast_in_dim3A_179, %broadcast_in_dim3A_181] : memref<128x8xi32, #tpu.memory_space<vmem>>[vector<16xi32>, vector<16xi32>], vector<16xi32>,
      %and3A_183 = arith.constant 65535 : i32
      %and3A_184 = vector.broadcast %and3A_183 : i32 to vector<16xi32>
      %and3A_185 = arith.andi %gather3A_182, %and3A_184 : vector<16xi32>
      %mul3A_186 = arith.constant 16 : i32
      %mul3A_187 = arith.muli %mul3A_71, %mul3A_186 : i32
      %add3A_188 = arith.constant 4 : i32
      %add3A_189 = arith.addi %mul3A_187, %add3A_188 : i32
      %broadcast_in_dim3A_190 = vector.broadcast %add3A_189 : i32 to vector<16xi32>
      %gather3A_191 = tpu.vector_load_idx %arg6[%broadcast_in_dim3A_190] : memref<2048xi32, #tpu.memory_space<vmem>>[vector<16xi32>], vector<16xi32>,
      %and3A_192 = arith.constant 1 : i32
      %and3A_193 = vector.broadcast %and3A_192 : i32 to vector<16xi32>
      %and3A_194 = arith.andi %gather3A_191, %and3A_193 : vector<16xi32>
      %eq3A_195 = arith.constant 0 : i32
      %eq3A_196 = vector.broadcast %eq3A_195 : i32 to vector<16xi32>
      %eq3A_197 = arith.cmpi eq, %and3A_194, %eq3A_196 : vector<16xi32>
      %shift_left3A_198 = arith.constant 16 : i32
      %shift_left3A_199 = vector.broadcast %shift_left3A_198 : i32 to vector<16xi32>
      %shift_left3A_200 = arith.shli %and3A_185, %shift_left3A_199 : vector<16xi32>
      %select_n3A_201 = arith.select %eq3A_197, %and3A_185, %shift_left3A_200 : vector<16xi1>, vector<16xi32>
      %bitcast3A_202 = vector.bitcast %select_n3A_201 : vector<16xi32> to vector<32xbf16>
      %broadcast_in_dim3A_203 = vector.broadcast %mul3A_71 : i32 to vector<16xi32>
      %broadcast_in_dim3A_204 = arith.constant 5 : i32
      %broadcast_in_dim3A_205 = vector.broadcast %broadcast_in_dim3A_204 : i32 to vector<16xi32>
      %gather3A_206 = tpu.vector_load_idx %arg8[%broadcast_in_dim3A_203, %broadcast_in_dim3A_205] : memref<128x8xi32, #tpu.memory_space<vmem>>[vector<16xi32>, vector<16xi32>], vector<16xi32>,
      %and3A_207 = arith.constant 65535 : i32
      %and3A_208 = vector.broadcast %and3A_207 : i32 to vector<16xi32>
      %and3A_209 = arith.andi %gather3A_206, %and3A_208 : vector<16xi32>
      %mul3A_210 = arith.constant 16 : i32
      %mul3A_211 = arith.muli %mul3A_71, %mul3A_210 : i32
      %add3A_212 = arith.constant 5 : i32
      %add3A_213 = arith.addi %mul3A_211, %add3A_212 : i32
      %broadcast_in_dim3A_214 = vector.broadcast %add3A_213 : i32 to vector<16xi32>
      %gather3A_215 = tpu.vector_load_idx %arg6[%broadcast_in_dim3A_214] : memref<2048xi32, #tpu.memory_space<vmem>>[vector<16xi32>], vector<16xi32>,
      %and3A_216 = arith.constant 1 : i32
      %and3A_217 = vector.broadcast %and3A_216 : i32 to vector<16xi32>
      %and3A_218 = arith.andi %gather3A_215, %and3A_217 : vector<16xi32>
      %eq3A_219 = arith.constant 0 : i32
      %eq3A_220 = vector.broadcast %eq3A_219 : i32 to vector<16xi32>
      %eq3A_221 = arith.cmpi eq, %and3A_218, %eq3A_220 : vector<16xi32>
      %shift_left3A_222 = arith.constant 16 : i32
      %shift_left3A_223 = vector.broadcast %shift_left3A_222 : i32 to vector<16xi32>
      %shift_left3A_224 = arith.shli %and3A_209, %shift_left3A_223 : vector<16xi32>
      %select_n3A_225 = arith.select %eq3A_221, %and3A_209, %shift_left3A_224 : vector<16xi1>, vector<16xi32>
      %bitcast3A_226 = vector.bitcast %select_n3A_225 : vector<16xi32> to vector<32xbf16>
      %broadcast_in_dim3A_227 = vector.broadcast %mul3A_71 : i32 to vector<16xi32>
      %broadcast_in_dim3A_228 = arith.constant 6 : i32
      %broadcast_in_dim3A_229 = vector.broadcast %broadcast_in_dim3A_228 : i32 to vector<16xi32>
      %gather3A_230 = tpu.vector_load_idx %arg8[%broadcast_in_dim3A_227, %broadcast_in_dim3A_229] : memref<128x8xi32, #tpu.memory_space<vmem>>[vector<16xi32>, vector<16xi32>], vector<16xi32>,
      %and3A_231 = arith.constant 65535 : i32
      %and3A_232 = vector.broadcast %and3A_231 : i32 to vector<16xi32>
      %and3A_233 = arith.andi %gather3A_230, %and3A_232 : vector<16xi32>
      %mul3A_234 = arith.constant 16 : i32
      %mul3A_235 = arith.muli %mul3A_71, %mul3A_234 : i32
      %add3A_236 = arith.constant 6 : i32
      %add3A_237 = arith.addi %mul3A_235, %add3A_236 : i32
      %broadcast_in_dim3A_238 = vector.broadcast %add3A_237 : i32 to vector<16xi32>
      %gather3A_239 = tpu.vector_load_idx %arg6[%broadcast_in_dim3A_238] : memref<2048xi32, #tpu.memory_space<vmem>>[vector<16xi32>], vector<16xi32>,
      %and3A_240 = arith.constant 1 : i32
      %and3A_241 = vector.broadcast %and3A_240 : i32 to vector<16xi32>
      %and3A_242 = arith.andi %gather3A_239, %and3A_241 : vector<16xi32>
      %eq3A_243 = arith.constant 0 : i32
      %eq3A_244 = vector.broadcast %eq3A_243 : i32 to vector<16xi32>
      %eq3A_245 = arith.cmpi eq, %and3A_242, %eq3A_244 : vector<16xi32>
      %shift_left3A_246 = arith.constant 16 : i32
      %shift_left3A_247 = vector.broadcast %shift_left3A_246 : i32 to vector<16xi32>
      %shift_left3A_248 = arith.shli %and3A_233, %shift_left3A_247 : vector<16xi32>
      %select_n3A_249 = arith.select %eq3A_245, %and3A_233, %shift_left3A_248 : vector<16xi1>, vector<16xi32>
      %bitcast3A_250 = vector.bitcast %select_n3A_249 : vector<16xi32> to vector<32xbf16>
      %broadcast_in_dim3A_251 = vector.broadcast %mul3A_71 : i32 to vector<16xi32>
      %broadcast_in_dim3A_252 = arith.constant 7 : i32
      %broadcast_in_dim3A_253 = vector.broadcast %broadcast_in_dim3A_252 : i32 to vector<16xi32>
      %gather3A_254 = tpu.vector_load_idx %arg8[%broadcast_in_dim3A_251, %broadcast_in_dim3A_253] : memref<128x8xi32, #tpu.memory_space<vmem>>[vector<16xi32>, vector<16xi32>], vector<16xi32>,
      %and3A_255 = arith.constant 65535 : i32
      %and3A_256 = vector.broadcast %and3A_255 : i32 to vector<16xi32>
      %and3A_257 = arith.andi %gather3A_254, %and3A_256 : vector<16xi32>
      %mul3A_258 = arith.constant 16 : i32
      %mul3A_259 = arith.muli %mul3A_71, %mul3A_258 : i32
      %add3A_260 = arith.constant 7 : i32
      %add3A_261 = arith.addi %mul3A_259, %add3A_260 : i32
      %broadcast_in_dim3A_262 = vector.broadcast %add3A_261 : i32 to vector<16xi32>
      %gather3A_263 = tpu.vector_load_idx %arg6[%broadcast_in_dim3A_262] : memref<2048xi32, #tpu.memory_space<vmem>>[vector<16xi32>], vector<16xi32>,
      %and3A_264 = arith.constant 1 : i32
      %and3A_265 = vector.broadcast %and3A_264 : i32 to vector<16xi32>
      %and3A_266 = arith.andi %gather3A_263, %and3A_265 : vector<16xi32>
      %eq3A_267 = arith.constant 0 : i32
      %eq3A_268 = vector.broadcast %eq3A_267 : i32 to vector<16xi32>
      %eq3A_269 = arith.cmpi eq, %and3A_266, %eq3A_268 : vector<16xi32>
      %shift_left3A_270 = arith.constant 16 : i32
      %shift_left3A_271 = vector.broadcast %shift_left3A_270 : i32 to vector<16xi32>
      %shift_left3A_272 = arith.shli %and3A_257, %shift_left3A_271 : vector<16xi32>
      %select_n3A_273 = arith.select %eq3A_269, %and3A_257, %shift_left3A_272 : vector<16xi1>, vector<16xi32>
      %bitcast3A_274 = vector.bitcast %select_n3A_273 : vector<16xi32> to vector<32xbf16>
      %broadcast_in_dim3A_275 = vector.broadcast %mul3A_71 : i32 to vector<16xi32>
      %broadcast_in_dim3A_276 = arith.constant 0 : i32
      %broadcast_in_dim3A_277 = vector.broadcast %broadcast_in_dim3A_276 : i32 to vector<16xi32>
      %gather3A_278 = tpu.vector_load_idx %arg8[%broadcast_in_dim3A_275, %broadcast_in_dim3A_277] : memref<128x8xi32, #tpu.memory_space<vmem>>[vector<16xi32>, vector<16xi32>], vector<16xi32>,
      %shift_right_logical3A = arith.constant 16 : i32
      %shift_right_logical3A_279 = vector.broadcast %shift_right_logical3A : i32 to vector<16xi32>
      %shift_right_logical3A_280 = arith.shrui %gather3A_278, %shift_right_logical3A_279 : vector<16xi32>
      %mul3A_281 = arith.constant 16 : i32
      %mul3A_282 = arith.muli %mul3A_71, %mul3A_281 : i32
      %add3A_283 = arith.constant 8 : i32
      %add3A_284 = arith.addi %mul3A_282, %add3A_283 : i32
      %broadcast_in_dim3A_285 = vector.broadcast %add3A_284 : i32 to vector<16xi32>
      %gather3A_286 = tpu.vector_load_idx %arg6[%broadcast_in_dim3A_285] : memref<2048xi32, #tpu.memory_space<vmem>>[vector<16xi32>], vector<16xi32>,
      %and3A_287 = arith.constant 1 : i32
      %and3A_288 = vector.broadcast %and3A_287 : i32 to vector<16xi32>
      %and3A_289 = arith.andi %gather3A_286, %and3A_288 : vector<16xi32>
      %eq3A_290 = arith.constant 0 : i32
      %eq3A_291 = vector.broadcast %eq3A_290 : i32 to vector<16xi32>
      %eq3A_292 = arith.cmpi eq, %and3A_289, %eq3A_291 : vector<16xi32>
      %shift_left3A_293 = arith.constant 16 : i32
      %shift_left3A_294 = vector.broadcast %shift_left3A_293 : i32 to vector<16xi32>
      %shift_left3A_295 = arith.shli %shift_right_logical3A_280, %shift_left3A_294 : vector<16xi32>
      %select_n3A_296 = arith.select %eq3A_292, %shift_right_logical3A_280, %shift_left3A_295 : vector<16xi1>, vector<16xi32>
      %bitcast3A_297 = vector.bitcast %select_n3A_296 : vector<16xi32> to vector<32xbf16>
      %broadcast_in_dim3A_298 = vector.broadcast %mul3A_71 : i32 to vector<16xi32>
      %broadcast_in_dim3A_299 = arith.constant 1 : i32
      %broadcast_in_dim3A_300 = vector.broadcast %broadcast_in_dim3A_299 : i32 to vector<16xi32>
      %gather3A_301 = tpu.vector_load_idx %arg8[%broadcast_in_dim3A_298, %broadcast_in_dim3A_300] : memref<128x8xi32, #tpu.memory_space<vmem>>[vector<16xi32>, vector<16xi32>], vector<16xi32>,
      %shift_right_logical3A_302 = arith.constant 16 : i32
      %shift_right_logical3A_303 = vector.broadcast %shift_right_logical3A_302 : i32 to vector<16xi32>
      %shift_right_logical3A_304 = arith.shrui %gather3A_301, %shift_right_logical3A_303 : vector<16xi32>
      %mul3A_305 = arith.constant 16 : i32
      %mul3A_306 = arith.muli %mul3A_71, %mul3A_305 : i32
      %add3A_307 = arith.constant 9 : i32
      %add3A_308 = arith.addi %mul3A_306, %add3A_307 : i32
      %broadcast_in_dim3A_309 = vector.broadcast %add3A_308 : i32 to vector<16xi32>
      %gather3A_310 = tpu.vector_load_idx %arg6[%broadcast_in_dim3A_309] : memref<2048xi32, #tpu.memory_space<vmem>>[vector<16xi32>], vector<16xi32>,
      %and3A_311 = arith.constant 1 : i32
      %and3A_312 = vector.broadcast %and3A_311 : i32 to vector<16xi32>
      %and3A_313 = arith.andi %gather3A_310, %and3A_312 : vector<16xi32>
      %eq3A_314 = arith.constant 0 : i32
      %eq3A_315 = vector.broadcast %eq3A_314 : i32 to vector<16xi32>
      %eq3A_316 = arith.cmpi eq, %and3A_313, %eq3A_315 : vector<16xi32>
      %shift_left3A_317 = arith.constant 16 : i32
      %shift_left3A_318 = vector.broadcast %shift_left3A_317 : i32 to vector<16xi32>
      %shift_left3A_319 = arith.shli %shift_right_logical3A_304, %shift_left3A_318 : vector<16xi32>
      %select_n3A_320 = arith.select %eq3A_316, %shift_right_logical3A_304, %shift_left3A_319 : vector<16xi1>, vector<16xi32>
      %bitcast3A_321 = vector.bitcast %select_n3A_320 : vector<16xi32> to vector<32xbf16>
      %broadcast_in_dim3A_322 = vector.broadcast %mul3A_71 : i32 to vector<16xi32>
      %broadcast_in_dim3A_323 = arith.constant 2 : i32
      %broadcast_in_dim3A_324 = vector.broadcast %broadcast_in_dim3A_323 : i32 to vector<16xi32>
      %gather3A_325 = tpu.vector_load_idx %arg8[%broadcast_in_dim3A_322, %broadcast_in_dim3A_324] : memref<128x8xi32, #tpu.memory_space<vmem>>[vector<16xi32>, vector<16xi32>], vector<16xi32>,
      %shift_right_logical3A_326 = arith.constant 16 : i32
      %shift_right_logical3A_327 = vector.broadcast %shift_right_logical3A_326 : i32 to vector<16xi32>
      %shift_right_logical3A_328 = arith.shrui %gather3A_325, %shift_right_logical3A_327 : vector<16xi32>
      %mul3A_329 = arith.constant 16 : i32
      %mul3A_330 = arith.muli %mul3A_71, %mul3A_329 : i32
      %add3A_331 = arith.constant 10 : i32
      %add3A_332 = arith.addi %mul3A_330, %add3A_331 : i32
      %broadcast_in_dim3A_333 = vector.broadcast %add3A_332 : i32 to vector<16xi32>
      %gather3A_334 = tpu.vector_load_idx %arg6[%broadcast_in_dim3A_333] : memref<2048xi32, #tpu.memory_space<vmem>>[vector<16xi32>], vector<16xi32>,
      %and3A_335 = arith.constant 1 : i32
      %and3A_336 = vector.broadcast %and3A_335 : i32 to vector<16xi32>
      %and3A_337 = arith.andi %gather3A_334, %and3A_336 : vector<16xi32>
      %eq3A_338 = arith.constant 0 : i32
      %eq3A_339 = vector.broadcast %eq3A_338 : i32 to vector<16xi32>
      %eq3A_340 = arith.cmpi eq, %and3A_337, %eq3A_339 : vector<16xi32>
      %shift_left3A_341 = arith.constant 16 : i32
      %shift_left3A_342 = vector.broadcast %shift_left3A_341 : i32 to vector<16xi32>
      %shift_left3A_343 = arith.shli %shift_right_logical3A_328, %shift_left3A_342 : vector<16xi32>
      %select_n3A_344 = arith.select %eq3A_340, %shift_right_logical3A_328, %shift_left3A_343 : vector<16xi1>, vector<16xi32>
      %bitcast3A_345 = vector.bitcast %select_n3A_344 : vector<16xi32> to vector<32xbf16>
      %broadcast_in_dim3A_346 = vector.broadcast %mul3A_71 : i32 to vector<16xi32>
      %broadcast_in_dim3A_347 = arith.constant 3 : i32
      %broadcast_in_dim3A_348 = vector.broadcast %broadcast_in_dim3A_347 : i32 to vector<16xi32>
      %gather3A_349 = tpu.vector_load_idx %arg8[%broadcast_in_dim3A_346, %broadcast_in_dim3A_348] : memref<128x8xi32, #tpu.memory_space<vmem>>[vector<16xi32>, vector<16xi32>], vector<16xi32>,
      %shift_right_logical3A_350 = arith.constant 16 : i32
      %shift_right_logical3A_351 = vector.broadcast %shift_right_logical3A_350 : i32 to vector<16xi32>
      %shift_right_logical3A_352 = arith.shrui %gather3A_349, %shift_right_logical3A_351 : vector<16xi32>
      %mul3A_353 = arith.constant 16 : i32
      %mul3A_354 = arith.muli %mul3A_71, %mul3A_353 : i32
      %add3A_355 = arith.constant 11 : i32
      %add3A_356 = arith.addi %mul3A_354, %add3A_355 : i32
      %broadcast_in_dim3A_357 = vector.broadcast %add3A_356 : i32 to vector<16xi32>
      %gather3A_358 = tpu.vector_load_idx %arg6[%broadcast_in_dim3A_357] : memref<2048xi32, #tpu.memory_space<vmem>>[vector<16xi32>], vector<16xi32>,
      %and3A_359 = arith.constant 1 : i32
      %and3A_360 = vector.broadcast %and3A_359 : i32 to vector<16xi32>
      %and3A_361 = arith.andi %gather3A_358, %and3A_360 : vector<16xi32>
      %eq3A_362 = arith.constant 0 : i32
      %eq3A_363 = vector.broadcast %eq3A_362 : i32 to vector<16xi32>
      %eq3A_364 = arith.cmpi eq, %and3A_361, %eq3A_363 : vector<16xi32>
      %shift_left3A_365 = arith.constant 16 : i32
      %shift_left3A_366 = vector.broadcast %shift_left3A_365 : i32 to vector<16xi32>
      %shift_left3A_367 = arith.shli %shift_right_logical3A_352, %shift_left3A_366 : vector<16xi32>
      %select_n3A_368 = arith.select %eq3A_364, %shift_right_logical3A_352, %shift_left3A_367 : vector<16xi1>, vector<16xi32>
      %bitcast3A_369 = vector.bitcast %select_n3A_368 : vector<16xi32> to vector<32xbf16>
      %broadcast_in_dim3A_370 = vector.broadcast %mul3A_71 : i32 to vector<16xi32>
      %broadcast_in_dim3A_371 = arith.constant 4 : i32
      %broadcast_in_dim3A_372 = vector.broadcast %broadcast_in_dim3A_371 : i32 to vector<16xi32>
      %gather3A_373 = tpu.vector_load_idx %arg8[%broadcast_in_dim3A_370, %broadcast_in_dim3A_372] : memref<128x8xi32, #tpu.memory_space<vmem>>[vector<16xi32>, vector<16xi32>], vector<16xi32>,
      %shift_right_logical3A_374 = arith.constant 16 : i32
      %shift_right_logical3A_375 = vector.broadcast %shift_right_logical3A_374 : i32 to vector<16xi32>
      %shift_right_logical3A_376 = arith.shrui %gather3A_373, %shift_right_logical3A_375 : vector<16xi32>
      %mul3A_377 = arith.constant 16 : i32
      %mul3A_378 = arith.muli %mul3A_71, %mul3A_377 : i32
      %add3A_379 = arith.constant 12 : i32
      %add3A_380 = arith.addi %mul3A_378, %add3A_379 : i32
      %broadcast_in_dim3A_381 = vector.broadcast %add3A_380 : i32 to vector<16xi32>
      %gather3A_382 = tpu.vector_load_idx %arg6[%broadcast_in_dim3A_381] : memref<2048xi32, #tpu.memory_space<vmem>>[vector<16xi32>], vector<16xi32>,
      %and3A_383 = arith.constant 1 : i32
      %and3A_384 = vector.broadcast %and3A_383 : i32 to vector<16xi32>
      %and3A_385 = arith.andi %gather3A_382, %and3A_384 : vector<16xi32>
      %eq3A_386 = arith.constant 0 : i32
      %eq3A_387 = vector.broadcast %eq3A_386 : i32 to vector<16xi32>
      %eq3A_388 = arith.cmpi eq, %and3A_385, %eq3A_387 : vector<16xi32>
      %shift_left3A_389 = arith.constant 16 : i32
      %shift_left3A_390 = vector.broadcast %shift_left3A_389 : i32 to vector<16xi32>
      %shift_left3A_391 = arith.shli %shift_right_logical3A_376, %shift_left3A_390 : vector<16xi32>
      %select_n3A_392 = arith.select %eq3A_388, %shift_right_logical3A_376, %shift_left3A_391 : vector<16xi1>, vector<16xi32>
      %bitcast3A_393 = vector.bitcast %select_n3A_392 : vector<16xi32> to vector<32xbf16>
      %broadcast_in_dim3A_394 = vector.broadcast %mul3A_71 : i32 to vector<16xi32>
      %broadcast_in_dim3A_395 = arith.constant 5 : i32
      %broadcast_in_dim3A_396 = vector.broadcast %broadcast_in_dim3A_395 : i32 to vector<16xi32>
      %gather3A_397 = tpu.vector_load_idx %arg8[%broadcast_in_dim3A_394, %broadcast_in_dim3A_396] : memref<128x8xi32, #tpu.memory_space<vmem>>[vector<16xi32>, vector<16xi32>], vector<16xi32>,
      %shift_right_logical3A_398 = arith.constant 16 : i32
      %shift_right_logical3A_399 = vector.broadcast %shift_right_logical3A_398 : i32 to vector<16xi32>
      %shift_right_logical3A_400 = arith.shrui %gather3A_397, %shift_right_logical3A_399 : vector<16xi32>
      %mul3A_401 = arith.constant 16 : i32
      %mul3A_402 = arith.muli %mul3A_71, %mul3A_401 : i32
      %add3A_403 = arith.constant 13 : i32
      %add3A_404 = arith.addi %mul3A_402, %add3A_403 : i32
      %broadcast_in_dim3A_405 = vector.broadcast %add3A_404 : i32 to vector<16xi32>
      %gather3A_406 = tpu.vector_load_idx %arg6[%broadcast_in_dim3A_405] : memref<2048xi32, #tpu.memory_space<vmem>>[vector<16xi32>], vector<16xi32>,
      %and3A_407 = arith.constant 1 : i32
      %and3A_408 = vector.broadcast %and3A_407 : i32 to vector<16xi32>
      %and3A_409 = arith.andi %gather3A_406, %and3A_408 : vector<16xi32>
      %eq3A_410 = arith.constant 0 : i32
      %eq3A_411 = vector.broadcast %eq3A_410 : i32 to vector<16xi32>
      %eq3A_412 = arith.cmpi eq, %and3A_409, %eq3A_411 : vector<16xi32>
      %shift_left3A_413 = arith.constant 16 : i32
      %shift_left3A_414 = vector.broadcast %shift_left3A_413 : i32 to vector<16xi32>
      %shift_left3A_415 = arith.shli %shift_right_logical3A_400, %shift_left3A_414 : vector<16xi32>
      %select_n3A_416 = arith.select %eq3A_412, %shift_right_logical3A_400, %shift_left3A_415 : vector<16xi1>, vector<16xi32>
      %bitcast3A_417 = vector.bitcast %select_n3A_416 : vector<16xi32> to vector<32xbf16>
      %broadcast_in_dim3A_418 = vector.broadcast %mul3A_71 : i32 to vector<16xi32>
      %broadcast_in_dim3A_419 = arith.constant 6 : i32
      %broadcast_in_dim3A_420 = vector.broadcast %broadcast_in_dim3A_419 : i32 to vector<16xi32>
      %gather3A_421 = tpu.vector_load_idx %arg8[%broadcast_in_dim3A_418, %broadcast_in_dim3A_420] : memref<128x8xi32, #tpu.memory_space<vmem>>[vector<16xi32>, vector<16xi32>], vector<16xi32>,
      %shift_right_logical3A_422 = arith.constant 16 : i32
      %shift_right_logical3A_423 = vector.broadcast %shift_right_logical3A_422 : i32 to vector<16xi32>
      %shift_right_logical3A_424 = arith.shrui %gather3A_421, %shift_right_logical3A_423 : vector<16xi32>
      %mul3A_425 = arith.constant 16 : i32
      %mul3A_426 = arith.muli %mul3A_71, %mul3A_425 : i32
      %add3A_427 = arith.constant 14 : i32
      %add3A_428 = arith.addi %mul3A_426, %add3A_427 : i32
      %broadcast_in_dim3A_429 = vector.broadcast %add3A_428 : i32 to vector<16xi32>
      %gather3A_430 = tpu.vector_load_idx %arg6[%broadcast_in_dim3A_429] : memref<2048xi32, #tpu.memory_space<vmem>>[vector<16xi32>], vector<16xi32>,
      %and3A_431 = arith.constant 1 : i32
      %and3A_432 = vector.broadcast %and3A_431 : i32 to vector<16xi32>
      %and3A_433 = arith.andi %gather3A_430, %and3A_432 : vector<16xi32>
      %eq3A_434 = arith.constant 0 : i32
      %eq3A_435 = vector.broadcast %eq3A_434 : i32 to vector<16xi32>
      %eq3A_436 = arith.cmpi eq, %and3A_433, %eq3A_435 : vector<16xi32>
      %shift_left3A_437 = arith.constant 16 : i32
      %shift_left3A_438 = vector.broadcast %shift_left3A_437 : i32 to vector<16xi32>
      %shift_left3A_439 = arith.shli %shift_right_logical3A_424, %shift_left3A_438 : vector<16xi32>
      %select_n3A_440 = arith.select %eq3A_436, %shift_right_logical3A_424, %shift_left3A_439 : vector<16xi1>, vector<16xi32>
      %bitcast3A_441 = vector.bitcast %select_n3A_440 : vector<16xi32> to vector<32xbf16>
      %broadcast_in_dim3A_442 = vector.broadcast %mul3A_71 : i32 to vector<16xi32>
      %broadcast_in_dim3A_443 = arith.constant 7 : i32
      %broadcast_in_dim3A_444 = vector.broadcast %broadcast_in_dim3A_443 : i32 to vector<16xi32>
      %gather3A_445 = tpu.vector_load_idx %arg8[%broadcast_in_dim3A_442, %broadcast_in_dim3A_444] : memref<128x8xi32, #tpu.memory_space<vmem>>[vector<16xi32>, vector<16xi32>], vector<16xi32>,
      %shift_right_logical3A_446 = arith.constant 16 : i32
      %shift_right_logical3A_447 = vector.broadcast %shift_right_logical3A_446 : i32 to vector<16xi32>
      %shift_right_logical3A_448 = arith.shrui %gather3A_445, %shift_right_logical3A_447 : vector<16xi32>
      %mul3A_449 = arith.constant 16 : i32
      %mul3A_450 = arith.muli %mul3A_71, %mul3A_449 : i32
      %add3A_451 = arith.constant 15 : i32
      %add3A_452 = arith.addi %mul3A_450, %add3A_451 : i32
      %broadcast_in_dim3A_453 = vector.broadcast %add3A_452 : i32 to vector<16xi32>
      %gather3A_454 = tpu.vector_load_idx %arg6[%broadcast_in_dim3A_453] : memref<2048xi32, #tpu.memory_space<vmem>>[vector<16xi32>], vector<16xi32>,
      %and3A_455 = arith.constant 1 : i32
      %and3A_456 = vector.broadcast %and3A_455 : i32 to vector<16xi32>
      %and3A_457 = arith.andi %gather3A_454, %and3A_456 : vector<16xi32>
      %eq3A_458 = arith.constant 0 : i32
      %eq3A_459 = vector.broadcast %eq3A_458 : i32 to vector<16xi32>
      %eq3A_460 = arith.cmpi eq, %and3A_457, %eq3A_459 : vector<16xi32>
      %shift_left3A_461 = arith.constant 16 : i32
      %shift_left3A_462 = vector.broadcast %shift_left3A_461 : i32 to vector<16xi32>
      %shift_left3A_463 = arith.shli %shift_right_logical3A_448, %shift_left3A_462 : vector<16xi32>
      %select_n3A_464 = arith.select %eq3A_460, %shift_right_logical3A_448, %shift_left3A_463 : vector<16xi1>, vector<16xi32>
      %bitcast3A_465 = vector.bitcast %select_n3A_464 : vector<16xi32> to vector<32xbf16>
      %parallel_loop3A = arith.constant 0 : i32
      %parallel_loop3A_466 = arith.constant 128 : i32
      %parallel_loop3A_467 = arith.constant 1 : i32
      scf.for %parallel_loop3A_877 = %parallel_loop3A to %parallel_loop3A_466 step %parallel_loop3A_467  : i32 {
        %parallel_loop3A_878 = arith.constant 16 : i32
        %parallel_loop3A_879 = arith.muli %parallel_loop3A_877, %parallel_loop3A_878 : i32
        %parallel_loop3A_880 = arith.constant 0 : i32
        %parallel_loop3A_881 = arith.index_cast %parallel_loop3A_880 : i32 to index
        %parallel_loop3A_882 = arith.index_cast %parallel_loop3A_879 : i32 to index
        %parallel_loop3A_883 = tpu.vector_load %arg9[%parallel_loop3A_881, %parallel_loop3A_882] {strides = array<i32>} : memref<16x2048xi32, #tpu.memory_space<vmem>>, vector<16xi32>,
        %parallel_loop3A_884 = vector.bitcast %parallel_loop3A_883 : vector<16xi32> to vector<32xbf16>
        %parallel_loop3A_885 = arith.mulf %parallel_loop3A_884, %bitcast3A : vector<32xbf16>
        %parallel_loop3A_886 = arith.constant 8 : i32
        %parallel_loop3A_887 = arith.index_cast %parallel_loop3A_886 : i32 to index
        %parallel_loop3A_888 = arith.index_cast %parallel_loop3A_879 : i32 to index
        %parallel_loop3A_889 = tpu.vector_load %arg9[%parallel_loop3A_887, %parallel_loop3A_888] {strides = array<i32>} : memref<16x2048xi32, #tpu.memory_space<vmem>>, vector<16xi32>,
        %parallel_loop3A_890 = vector.bitcast %parallel_loop3A_889 : vector<16xi32> to vector<32xbf16>
        %parallel_loop3A_891 = arith.mulf %parallel_loop3A_890, %bitcast3A_297 : vector<32xbf16>
        %parallel_loop3A_892 = arith.constant 1 : i32
        %parallel_loop3A_893 = arith.index_cast %parallel_loop3A_892 : i32 to index
        %parallel_loop3A_894 = arith.index_cast %parallel_loop3A_879 : i32 to index
        %parallel_loop3A_895 = tpu.vector_load %arg9[%parallel_loop3A_893, %parallel_loop3A_894] {strides = array<i32>} : memref<16x2048xi32, #tpu.memory_space<vmem>>, vector<16xi32>,
        %parallel_loop3A_896 = vector.bitcast %parallel_loop3A_895 : vector<16xi32> to vector<32xbf16>
        %parallel_loop3A_897 = arith.mulf %parallel_loop3A_896, %bitcast3A_130 : vector<32xbf16>
        %parallel_loop3A_898 = arith.addf %parallel_loop3A_885, %parallel_loop3A_897 : vector<32xbf16>
        %parallel_loop3A_899 = arith.constant 9 : i32
        %parallel_loop3A_900 = arith.index_cast %parallel_loop3A_899 : i32 to index
        %parallel_loop3A_901 = arith.index_cast %parallel_loop3A_879 : i32 to index
        %parallel_loop3A_902 = tpu.vector_load %arg9[%parallel_loop3A_900, %parallel_loop3A_901] {strides = array<i32>} : memref<16x2048xi32, #tpu.memory_space<vmem>>, vector<16xi32>,
        %parallel_loop3A_903 = vector.bitcast %parallel_loop3A_902 : vector<16xi32> to vector<32xbf16>
        %parallel_loop3A_904 = arith.mulf %parallel_loop3A_903, %bitcast3A_321 : vector<32xbf16>
        %parallel_loop3A_905 = arith.addf %parallel_loop3A_891, %parallel_loop3A_904 : vector<32xbf16>
        %parallel_loop3A_906 = arith.constant 2 : i32
        %parallel_loop3A_907 = arith.index_cast %parallel_loop3A_906 : i32 to index
        %parallel_loop3A_908 = arith.index_cast %parallel_loop3A_879 : i32 to index
        %parallel_loop3A_909 = tpu.vector_load %arg9[%parallel_loop3A_907, %parallel_loop3A_908] {strides = array<i32>} : memref<16x2048xi32, #tpu.memory_space<vmem>>, vector<16xi32>,
        %parallel_loop3A_910 = vector.bitcast %parallel_loop3A_909 : vector<16xi32> to vector<32xbf16>
        %parallel_loop3A_911 = arith.mulf %parallel_loop3A_910, %bitcast3A_154 : vector<32xbf16>
        %parallel_loop3A_912 = arith.addf %parallel_loop3A_898, %parallel_loop3A_911 : vector<32xbf16>
        %parallel_loop3A_913 = arith.constant 10 : i32
        %parallel_loop3A_914 = arith.index_cast %parallel_loop3A_913 : i32 to index
        %parallel_loop3A_915 = arith.index_cast %parallel_loop3A_879 : i32 to index
        %parallel_loop3A_916 = tpu.vector_load %arg9[%parallel_loop3A_914, %parallel_loop3A_915] {strides = array<i32>} : memref<16x2048xi32, #tpu.memory_space<vmem>>, vector<16xi32>,
        %parallel_loop3A_917 = vector.bitcast %parallel_loop3A_916 : vector<16xi32> to vector<32xbf16>
        %parallel_loop3A_918 = arith.mulf %parallel_loop3A_917, %bitcast3A_345 : vector<32xbf16>
        %parallel_loop3A_919 = arith.addf %parallel_loop3A_905, %parallel_loop3A_918 : vector<32xbf16>
        %parallel_loop3A_920 = arith.constant 3 : i32
        %parallel_loop3A_921 = arith.index_cast %parallel_loop3A_920 : i32 to index
        %parallel_loop3A_922 = arith.index_cast %parallel_loop3A_879 : i32 to index
        %parallel_loop3A_923 = tpu.vector_load %arg9[%parallel_loop3A_921, %parallel_loop3A_922] {strides = array<i32>} : memref<16x2048xi32, #tpu.memory_space<vmem>>, vector<16xi32>,
        %parallel_loop3A_924 = vector.bitcast %parallel_loop3A_923 : vector<16xi32> to vector<32xbf16>
        %parallel_loop3A_925 = arith.mulf %parallel_loop3A_924, %bitcast3A_178 : vector<32xbf16>
        %parallel_loop3A_926 = arith.addf %parallel_loop3A_912, %parallel_loop3A_925 : vector<32xbf16>
        %parallel_loop3A_927 = arith.constant 11 : i32
        %parallel_loop3A_928 = arith.index_cast %parallel_loop3A_927 : i32 to index
        %parallel_loop3A_929 = arith.index_cast %parallel_loop3A_879 : i32 to index
        %parallel_loop3A_930 = tpu.vector_load %arg9[%parallel_loop3A_928, %parallel_loop3A_929] {strides = array<i32>} : memref<16x2048xi32, #tpu.memory_space<vmem>>, vector<16xi32>,
        %parallel_loop3A_931 = vector.bitcast %parallel_loop3A_930 : vector<16xi32> to vector<32xbf16>
        %parallel_loop3A_932 = arith.mulf %parallel_loop3A_931, %bitcast3A_369 : vector<32xbf16>
        %parallel_loop3A_933 = arith.addf %parallel_loop3A_919, %parallel_loop3A_932 : vector<32xbf16>
        %parallel_loop3A_934 = arith.constant 4 : i32
        %parallel_loop3A_935 = arith.index_cast %parallel_loop3A_934 : i32 to index
        %parallel_loop3A_936 = arith.index_cast %parallel_loop3A_879 : i32 to index
        %parallel_loop3A_937 = tpu.vector_load %arg9[%parallel_loop3A_935, %parallel_loop3A_936] {strides = array<i32>} : memref<16x2048xi32, #tpu.memory_space<vmem>>, vector<16xi32>,
        %parallel_loop3A_938 = vector.bitcast %parallel_loop3A_937 : vector<16xi32> to vector<32xbf16>
        %parallel_loop3A_939 = arith.mulf %parallel_loop3A_938, %bitcast3A_202 : vector<32xbf16>
        %parallel_loop3A_940 = arith.addf %parallel_loop3A_926, %parallel_loop3A_939 : vector<32xbf16>
        %parallel_loop3A_941 = arith.constant 12 : i32
        %parallel_loop3A_942 = arith.index_cast %parallel_loop3A_941 : i32 to index
        %parallel_loop3A_943 = arith.index_cast %parallel_loop3A_879 : i32 to index
        %parallel_loop3A_944 = tpu.vector_load %arg9[%parallel_loop3A_942, %parallel_loop3A_943] {strides = array<i32>} : memref<16x2048xi32, #tpu.memory_space<vmem>>, vector<16xi32>,
        %parallel_loop3A_945 = vector.bitcast %parallel_loop3A_944 : vector<16xi32> to vector<32xbf16>
        %parallel_loop3A_946 = arith.mulf %parallel_loop3A_945, %bitcast3A_393 : vector<32xbf16>
        %parallel_loop3A_947 = arith.addf %parallel_loop3A_933, %parallel_loop3A_946 : vector<32xbf16>
        %parallel_loop3A_948 = arith.constant 5 : i32
        %parallel_loop3A_949 = arith.index_cast %parallel_loop3A_948 : i32 to index
        %parallel_loop3A_950 = arith.index_cast %parallel_loop3A_879 : i32 to index
        %parallel_loop3A_951 = tpu.vector_load %arg9[%parallel_loop3A_949, %parallel_loop3A_950] {strides = array<i32>} : memref<16x2048xi32, #tpu.memory_space<vmem>>, vector<16xi32>,
        %parallel_loop3A_952 = vector.bitcast %parallel_loop3A_951 : vector<16xi32> to vector<32xbf16>
        %parallel_loop3A_953 = arith.mulf %parallel_loop3A_952, %bitcast3A_226 : vector<32xbf16>
        %parallel_loop3A_954 = arith.addf %parallel_loop3A_940, %parallel_loop3A_953 : vector<32xbf16>
        %parallel_loop3A_955 = arith.constant 13 : i32
        %parallel_loop3A_956 = arith.index_cast %parallel_loop3A_955 : i32 to index
        %parallel_loop3A_957 = arith.index_cast %parallel_loop3A_879 : i32 to index
        %parallel_loop3A_958 = tpu.vector_load %arg9[%parallel_loop3A_956, %parallel_loop3A_957] {strides = array<i32>} : memref<16x2048xi32, #tpu.memory_space<vmem>>, vector<16xi32>,
        %parallel_loop3A_959 = vector.bitcast %parallel_loop3A_958 : vector<16xi32> to vector<32xbf16>
        %parallel_loop3A_960 = arith.mulf %parallel_loop3A_959, %bitcast3A_417 : vector<32xbf16>
        %parallel_loop3A_961 = arith.addf %parallel_loop3A_947, %parallel_loop3A_960 : vector<32xbf16>
        %parallel_loop3A_962 = arith.constant 6 : i32
        %parallel_loop3A_963 = arith.index_cast %parallel_loop3A_962 : i32 to index
        %parallel_loop3A_964 = arith.index_cast %parallel_loop3A_879 : i32 to index
        %parallel_loop3A_965 = tpu.vector_load %arg9[%parallel_loop3A_963, %parallel_loop3A_964] {strides = array<i32>} : memref<16x2048xi32, #tpu.memory_space<vmem>>, vector<16xi32>,
        %parallel_loop3A_966 = vector.bitcast %parallel_loop3A_965 : vector<16xi32> to vector<32xbf16>
        %parallel_loop3A_967 = arith.mulf %parallel_loop3A_966, %bitcast3A_250 : vector<32xbf16>
        %parallel_loop3A_968 = arith.addf %parallel_loop3A_954, %parallel_loop3A_967 : vector<32xbf16>
        %parallel_loop3A_969 = arith.constant 14 : i32
        %parallel_loop3A_970 = arith.index_cast %parallel_loop3A_969 : i32 to index
        %parallel_loop3A_971 = arith.index_cast %parallel_loop3A_879 : i32 to index
        %parallel_loop3A_972 = tpu.vector_load %arg9[%parallel_loop3A_970, %parallel_loop3A_971] {strides = array<i32>} : memref<16x2048xi32, #tpu.memory_space<vmem>>, vector<16xi32>,
        %parallel_loop3A_973 = vector.bitcast %parallel_loop3A_972 : vector<16xi32> to vector<32xbf16>
        %parallel_loop3A_974 = arith.mulf %parallel_loop3A_973, %bitcast3A_441 : vector<32xbf16>
        %parallel_loop3A_975 = arith.addf %parallel_loop3A_961, %parallel_loop3A_974 : vector<32xbf16>
        %parallel_loop3A_976 = arith.constant 7 : i32
        %parallel_loop3A_977 = arith.index_cast %parallel_loop3A_976 : i32 to index
        %parallel_loop3A_978 = arith.index_cast %parallel_loop3A_879 : i32 to index
        %parallel_loop3A_979 = tpu.vector_load %arg9[%parallel_loop3A_977, %parallel_loop3A_978] {strides = array<i32>} : memref<16x2048xi32, #tpu.memory_space<vmem>>, vector<16xi32>,
        %parallel_loop3A_980 = vector.bitcast %parallel_loop3A_979 : vector<16xi32> to vector<32xbf16>
        %parallel_loop3A_981 = arith.mulf %parallel_loop3A_980, %bitcast3A_274 : vector<32xbf16>
        %parallel_loop3A_982 = arith.addf %parallel_loop3A_968, %parallel_loop3A_981 : vector<32xbf16>
        %parallel_loop3A_983 = arith.constant 15 : i32
        %parallel_loop3A_984 = arith.index_cast %parallel_loop3A_983 : i32 to index
        %parallel_loop3A_985 = arith.index_cast %parallel_loop3A_879 : i32 to index
        %parallel_loop3A_986 = tpu.vector_load %arg9[%parallel_loop3A_984, %parallel_loop3A_985] {strides = array<i32>} : memref<16x2048xi32, #tpu.memory_space<vmem>>, vector<16xi32>,
        %parallel_loop3A_987 = vector.bitcast %parallel_loop3A_986 : vector<16xi32> to vector<32xbf16>
        %parallel_loop3A_988 = arith.mulf %parallel_loop3A_987, %bitcast3A_465 : vector<32xbf16>
        %parallel_loop3A_989 = arith.addf %parallel_loop3A_975, %parallel_loop3A_988 : vector<32xbf16>
        %parallel_loop3A_990 = vector.bitcast %parallel_loop3A_982 : vector<32xbf16> to vector<16xi32>
        %parallel_loop3A_991 = arith.constant 16 : i32
        %parallel_loop3A_992 = vector.broadcast %parallel_loop3A_991 : i32 to vector<16xi32>
        %parallel_loop3A_993 = arith.shli %parallel_loop3A_990, %parallel_loop3A_992 : vector<16xi32>
        %parallel_loop3A_994 = vector.bitcast %parallel_loop3A_993 : vector<16xi32> to vector<16xf32>
        %parallel_loop3A_995 = arith.constant -65536 : i32
        %parallel_loop3A_996 = vector.broadcast %parallel_loop3A_995 : i32 to vector<16xi32>
        %parallel_loop3A_997 = arith.andi %parallel_loop3A_990, %parallel_loop3A_996 : vector<16xi32>
        %parallel_loop3A_998 = vector.bitcast %parallel_loop3A_997 : vector<16xi32> to vector<16xf32>
        %parallel_loop3A_999 = arith.addf %parallel_loop3A_994, %parallel_loop3A_998 : vector<16xf32>
        %parallel_loop3A_1000 = vector.bitcast %parallel_loop3A_999 : vector<16xf32> to vector<16xi32>
        %parallel_loop3A_1001 = arith.constant 32767 : i32
        %parallel_loop3A_1002 = vector.broadcast %parallel_loop3A_1001 : i32 to vector<16xi32>
        %parallel_loop3A_1003 = arith.addi %parallel_loop3A_1000, %parallel_loop3A_1002 : vector<16xi32>
        %parallel_loop3A_1004 = arith.constant 16 : i32
        %parallel_loop3A_1005 = vector.broadcast %parallel_loop3A_1004 : i32 to vector<16xi32>
        %parallel_loop3A_1006 = arith.shrui %parallel_loop3A_1000, %parallel_loop3A_1005 : vector<16xi32>
        %parallel_loop3A_1007 = arith.constant 1 : i32
        %parallel_loop3A_1008 = vector.broadcast %parallel_loop3A_1007 : i32 to vector<16xi32>
        %parallel_loop3A_1009 = arith.andi %parallel_loop3A_1006, %parallel_loop3A_1008 : vector<16xi32>
        %parallel_loop3A_1010 = arith.addi %parallel_loop3A_1003, %parallel_loop3A_1009 : vector<16xi32>
        %parallel_loop3A_1011 = arith.constant 16 : i32
        %parallel_loop3A_1012 = vector.broadcast %parallel_loop3A_1011 : i32 to vector<16xi32>
        %parallel_loop3A_1013 = arith.shrui %parallel_loop3A_1010, %parallel_loop3A_1012 : vector<16xi32>
        %parallel_loop3A_1014 = vector.bitcast %parallel_loop3A_989 : vector<32xbf16> to vector<16xi32>
        %parallel_loop3A_1015 = arith.constant 16 : i32
        %parallel_loop3A_1016 = vector.broadcast %parallel_loop3A_1015 : i32 to vector<16xi32>
        %parallel_loop3A_1017 = arith.shli %parallel_loop3A_1014, %parallel_loop3A_1016 : vector<16xi32>
        %parallel_loop3A_1018 = vector.bitcast %parallel_loop3A_1017 : vector<16xi32> to vector<16xf32>
        %parallel_loop3A_1019 = arith.constant -65536 : i32
        %parallel_loop3A_1020 = vector.broadcast %parallel_loop3A_1019 : i32 to vector<16xi32>
        %parallel_loop3A_1021 = arith.andi %parallel_loop3A_1014, %parallel_loop3A_1020 : vector<16xi32>
        %parallel_loop3A_1022 = vector.bitcast %parallel_loop3A_1021 : vector<16xi32> to vector<16xf32>
        %parallel_loop3A_1023 = arith.addf %parallel_loop3A_1018, %parallel_loop3A_1022 : vector<16xf32>
        %parallel_loop3A_1024 = vector.bitcast %parallel_loop3A_1023 : vector<16xf32> to vector<16xi32>
        %parallel_loop3A_1025 = arith.constant 32767 : i32
        %parallel_loop3A_1026 = vector.broadcast %parallel_loop3A_1025 : i32 to vector<16xi32>
        %parallel_loop3A_1027 = arith.addi %parallel_loop3A_1024, %parallel_loop3A_1026 : vector<16xi32>
        %parallel_loop3A_1028 = arith.constant 16 : i32
        %parallel_loop3A_1029 = vector.broadcast %parallel_loop3A_1028 : i32 to vector<16xi32>
        %parallel_loop3A_1030 = arith.shrui %parallel_loop3A_1024, %parallel_loop3A_1029 : vector<16xi32>
        %parallel_loop3A_1031 = arith.constant 1 : i32
        %parallel_loop3A_1032 = vector.broadcast %parallel_loop3A_1031 : i32 to vector<16xi32>
        %parallel_loop3A_1033 = arith.andi %parallel_loop3A_1030, %parallel_loop3A_1032 : vector<16xi32>
        %parallel_loop3A_1034 = arith.addi %parallel_loop3A_1027, %parallel_loop3A_1033 : vector<16xi32>
        %parallel_loop3A_1035 = arith.constant -65536 : i32
        %parallel_loop3A_1036 = vector.broadcast %parallel_loop3A_1035 : i32 to vector<16xi32>
        %parallel_loop3A_1037 = arith.andi %parallel_loop3A_1034, %parallel_loop3A_1036 : vector<16xi32>
        %parallel_loop3A_1038 = arith.ori %parallel_loop3A_1013, %parallel_loop3A_1037 : vector<16xi32>
        %parallel_loop3A_1039 = arith.index_cast %parallel_loop3A_879 : i32 to index
        %parallel_loop3A_1040 = tpu.vector_load %arg11[%parallel_loop3A_1039] {strides = array<i32>} : memref<2048xi32, #tpu.memory_space<vmem>>, vector<16xi32>,
        tpu.vector_store %arg11[%parallel_loop3A_1039], %parallel_loop3A_1038 {strides = array<i32>} : memref<2048xi32, #tpu.memory_space<vmem>>, vector<16xi32>,
      } {sc.loop_unroll_factor = 2 : i64, sc.parallel_access}
      %add3A_468 = arith.addi %select_n3A_50, %mul3A_71 : i32
      "tpu.region"() ({
        %run_scoped3A = tpu.sem_alloc : memref<!tpu.dma_semaphore, #tpu.memory_space<semaphore_mem>>
        %dma_start3A_877 = tpu.memref_bitcast %arg5 : memref<8192x2048xbf16, #tpu.memory_space<hbm>> -> memref<4096x2048xi32, #tpu.memory_space<hbm>>
        %dma_start3A_878 = arith.constant 0 : i32
        %dma_start3A_879 = tpu.memref_slice %dma_start3A_877[%add3A_468, %dma_start3A_878] : memref<4096x2048xi32, #tpu.memory_space<hbm>> -> memref<1x2048xi32, #tpu.memory_space<hbm>>
        %dma_start3A_880 = tpu.memref_squeeze %dma_start3A_879 : memref<1x2048xi32, #tpu.memory_space<hbm>> -> memref<2048xi32, #tpu.memory_space<hbm>>
        %dma_start3A_881 = tpu.memref_bitcast %arg5 : memref<8192x2048xbf16, #tpu.memory_space<hbm>> -> memref<4096x2048xi32, #tpu.memory_space<hbm>>
        %dma_start3A_882 = arith.constant 0 : i32
        %dma_start3A_883 = tpu.memref_slice %dma_start3A_881[%add3A_468, %dma_start3A_882] : memref<4096x2048xi32, #tpu.memory_space<hbm>> -> memref<1x2048xi32, #tpu.memory_space<hbm>>
        %dma_start3A_884 = tpu.memref_squeeze %dma_start3A_883 : memref<1x2048xi32, #tpu.memory_space<hbm>> -> memref<2048xi32, #tpu.memory_space<hbm>>
        tpu.enqueue_dma source(%arg11 : memref<2048xi32, #tpu.memory_space<vmem>>) target(%dma_start3A_884 : memref<2048xi32, #tpu.memory_space<hbm>>) target_semaphore(%run_scoped3A : memref<!tpu.dma_semaphore, #tpu.memory_space<semaphore_mem>>)
        %dma_wait3A_885 = tpu.memref_bitcast %arg5 : memref<8192x2048xbf16, #tpu.memory_space<hbm>> -> memref<4096x2048xi32, #tpu.memory_space<hbm>>
        %dma_wait3A_886 = arith.constant 0 : i32
        %dma_wait3A_887 = tpu.memref_slice %dma_wait3A_885[%add3A_468, %dma_wait3A_886] : memref<4096x2048xi32, #tpu.memory_space<hbm>> -> memref<1x2048xi32, #tpu.memory_space<hbm>>
        %dma_wait3A_888 = tpu.memref_squeeze %dma_wait3A_887 : memref<1x2048xi32, #tpu.memory_space<hbm>> -> memref<2048xi32, #tpu.memory_space<hbm>>
        %dma_wait3A_889 = tpu.memref_bitcast %arg5 : memref<8192x2048xbf16, #tpu.memory_space<hbm>> -> memref<4096x2048xi32, #tpu.memory_space<hbm>>
        %dma_wait3A_890 = arith.constant 0 : i32
        %dma_wait3A_891 = tpu.memref_slice %dma_wait3A_889[%add3A_468, %dma_wait3A_890] : memref<4096x2048xi32, #tpu.memory_space<hbm>> -> memref<1x2048xi32, #tpu.memory_space<hbm>>
        %dma_wait3A_892 = tpu.memref_squeeze %dma_wait3A_891 : memref<1x2048xi32, #tpu.memory_space<hbm>> -> memref<2048xi32, #tpu.memory_space<hbm>>
        tpu.wait_dma2 semaphore(%run_scoped3A : memref<!tpu.dma_semaphore, #tpu.memory_space<semaphore_mem>>) src(%arg11 : memref<2048xi32, #tpu.memory_space<vmem>>) dst(%dma_wait3A_892 : memref<2048xi32, #tpu.memory_space<hbm>>)
        tpu.yield
      }) : () -> ()
      %add3A_469 = arith.constant 2 : i32
      %add3A_470 = arith.addi %mul3A_71, %add3A_469 : i32
      %lt3A = arith.constant 128 : i32
      %lt3A_471 = arith.cmpi slt, %add3A_470, %lt3A : i32
      %add3A_472 = arith.constant 2 : i32
      %add3A_473 = arith.addi %mul3A_71, %add3A_472 : i32
      %jit3A_474 = arith.constant 0 : i32
      %select_n3A_475 = arith.select %lt3A_471, %add3A_473, %jit3A_474 : i32
      %mul3A_476 = arith.constant 16 : i32
      %mul3A_477 = arith.muli %select_n3A_475, %mul3A_476 : i32
      %dma_start3A_478 = tpu.memref_slice %arg7[%mul3A_477] : memref<2048xi32, #tpu.memory_space<vmem>> -> memref<16xi32, #tpu.memory_space<vmem>>
      %dma_start3A_479 = tpu.memref_bitcast %arg2 : memref<65536x2048xbf16, #tpu.memory_space<hbm>> -> memref<32768x2048xi32, #tpu.memory_space<hbm>>
      %dma_start3A_480 = arith.constant 0 : i32
      %dma_start3A_481 = arith.constant 0 : i32
      %dma_start3A_482 = tpu.memref_slice %dma_start3A_479[%dma_start3A_480, %dma_start3A_481] : memref<32768x2048xi32, #tpu.memory_space<hbm>> -> memref<32768x2048xi32, #tpu.memory_space<hbm>>
      tpu.enqueue_indirect_dma source(%dma_start3A_482 : memref<32768x2048xi32, #tpu.memory_space<hbm>>) target(%arg9 : memref<16x2048xi32, #tpu.memory_space<vmem>>) offsets(%dma_start3A_478 : memref<16xi32, #tpu.memory_space<vmem>>) semaphore(%arg13 : memref<!tpu.dma_semaphore, #tpu.memory_space<semaphore_mem>>)
      %dma_wait3A_483 = tpu.memref_slice %arg7[%mul3A_75] : memref<2048xi32, #tpu.memory_space<vmem>> -> memref<16xi32, #tpu.memory_space<vmem>>
      %dma_wait3A_484 = tpu.memref_bitcast %arg2 : memref<65536x2048xbf16, #tpu.memory_space<hbm>> -> memref<32768x2048xi32, #tpu.memory_space<hbm>>
      %dma_wait3A_485 = arith.constant 0 : i32
      %dma_wait3A_486 = arith.constant 0 : i32
      %dma_wait3A_487 = tpu.memref_slice %dma_wait3A_484[%dma_wait3A_485, %dma_wait3A_486] : memref<32768x2048xi32, #tpu.memory_space<hbm>> -> memref<32768x2048xi32, #tpu.memory_space<hbm>>
      tpu.wait_indirect_dma semaphore(%arg14 : memref<!tpu.dma_semaphore, #tpu.memory_space<semaphore_mem>>) src(%dma_wait3A_487 : memref<32768x2048xi32, #tpu.memory_space<hbm>>) dst(%arg10 : memref<16x2048xi32, #tpu.memory_space<vmem>>)
      %broadcast_in_dim3A_488 = vector.broadcast %add3A_73 : i32 to vector<16xi32>
      %broadcast_in_dim3A_489 = arith.constant 0 : i32
      %broadcast_in_dim3A_490 = vector.broadcast %broadcast_in_dim3A_489 : i32 to vector<16xi32>
      %gather3A_491 = tpu.vector_load_idx %arg8[%broadcast_in_dim3A_488, %broadcast_in_dim3A_490] : memref<128x8xi32, #tpu.memory_space<vmem>>[vector<16xi32>, vector<16xi32>], vector<16xi32>,
      %and3A_492 = arith.constant 65535 : i32
      %and3A_493 = vector.broadcast %and3A_492 : i32 to vector<16xi32>
      %and3A_494 = arith.andi %gather3A_491, %and3A_493 : vector<16xi32>
      %mul3A_495 = arith.constant 16 : i32
      %mul3A_496 = arith.muli %add3A_73, %mul3A_495 : i32
      %add3A_497 = arith.constant 0 : i32
      %add3A_498 = arith.addi %mul3A_496, %add3A_497 : i32
      %broadcast_in_dim3A_499 = vector.broadcast %add3A_498 : i32 to vector<16xi32>
      %gather3A_500 = tpu.vector_load_idx %arg6[%broadcast_in_dim3A_499] : memref<2048xi32, #tpu.memory_space<vmem>>[vector<16xi32>], vector<16xi32>,
      %and3A_501 = arith.constant 1 : i32
      %and3A_502 = vector.broadcast %and3A_501 : i32 to vector<16xi32>
      %and3A_503 = arith.andi %gather3A_500, %and3A_502 : vector<16xi32>
      %eq3A_504 = arith.constant 0 : i32
      %eq3A_505 = vector.broadcast %eq3A_504 : i32 to vector<16xi32>
      %eq3A_506 = arith.cmpi eq, %and3A_503, %eq3A_505 : vector<16xi32>
      %shift_left3A_507 = arith.constant 16 : i32
      %shift_left3A_508 = vector.broadcast %shift_left3A_507 : i32 to vector<16xi32>
      %shift_left3A_509 = arith.shli %and3A_494, %shift_left3A_508 : vector<16xi32>
      %select_n3A_510 = arith.select %eq3A_506, %and3A_494, %shift_left3A_509 : vector<16xi1>, vector<16xi32>
      %bitcast3A_511 = vector.bitcast %select_n3A_510 : vector<16xi32> to vector<32xbf16>
      %broadcast_in_dim3A_512 = vector.broadcast %add3A_73 : i32 to vector<16xi32>
      %broadcast_in_dim3A_513 = arith.constant 1 : i32
      %broadcast_in_dim3A_514 = vector.broadcast %broadcast_in_dim3A_513 : i32 to vector<16xi32>
      %gather3A_515 = tpu.vector_load_idx %arg8[%broadcast_in_dim3A_512, %broadcast_in_dim3A_514] : memref<128x8xi32, #tpu.memory_space<vmem>>[vector<16xi32>, vector<16xi32>], vector<16xi32>,
      %and3A_516 = arith.constant 65535 : i32
      %and3A_517 = vector.broadcast %and3A_516 : i32 to vector<16xi32>
      %and3A_518 = arith.andi %gather3A_515, %and3A_517 : vector<16xi32>
      %mul3A_519 = arith.constant 16 : i32
      %mul3A_520 = arith.muli %add3A_73, %mul3A_519 : i32
      %add3A_521 = arith.constant 1 : i32
      %add3A_522 = arith.addi %mul3A_520, %add3A_521 : i32
      %broadcast_in_dim3A_523 = vector.broadcast %add3A_522 : i32 to vector<16xi32>
      %gather3A_524 = tpu.vector_load_idx %arg6[%broadcast_in_dim3A_523] : memref<2048xi32, #tpu.memory_space<vmem>>[vector<16xi32>], vector<16xi32>,
      %and3A_525 = arith.constant 1 : i32
      %and3A_526 = vector.broadcast %and3A_525 : i32 to vector<16xi32>
      %and3A_527 = arith.andi %gather3A_524, %and3A_526 : vector<16xi32>
      %eq3A_528 = arith.constant 0 : i32
      %eq3A_529 = vector.broadcast %eq3A_528 : i32 to vector<16xi32>
      %eq3A_530 = arith.cmpi eq, %and3A_527, %eq3A_529 : vector<16xi32>
      %shift_left3A_531 = arith.constant 16 : i32
      %shift_left3A_532 = vector.broadcast %shift_left3A_531 : i32 to vector<16xi32>
      %shift_left3A_533 = arith.shli %and3A_518, %shift_left3A_532 : vector<16xi32>
      %select_n3A_534 = arith.select %eq3A_530, %and3A_518, %shift_left3A_533 : vector<16xi1>, vector<16xi32>
      %bitcast3A_535 = vector.bitcast %select_n3A_534 : vector<16xi32> to vector<32xbf16>
      %broadcast_in_dim3A_536 = vector.broadcast %add3A_73 : i32 to vector<16xi32>
      %broadcast_in_dim3A_537 = arith.constant 2 : i32
      %broadcast_in_dim3A_538 = vector.broadcast %broadcast_in_dim3A_537 : i32 to vector<16xi32>
      %gather3A_539 = tpu.vector_load_idx %arg8[%broadcast_in_dim3A_536, %broadcast_in_dim3A_538] : memref<128x8xi32, #tpu.memory_space<vmem>>[vector<16xi32>, vector<16xi32>], vector<16xi32>,
      %and3A_540 = arith.constant 65535 : i32
      %and3A_541 = vector.broadcast %and3A_540 : i32 to vector<16xi32>
      %and3A_542 = arith.andi %gather3A_539, %and3A_541 : vector<16xi32>
      %mul3A_543 = arith.constant 16 : i32
      %mul3A_544 = arith.muli %add3A_73, %mul3A_543 : i32
      %add3A_545 = arith.constant 2 : i32
      %add3A_546 = arith.addi %mul3A_544, %add3A_545 : i32
      %broadcast_in_dim3A_547 = vector.broadcast %add3A_546 : i32 to vector<16xi32>
      %gather3A_548 = tpu.vector_load_idx %arg6[%broadcast_in_dim3A_547] : memref<2048xi32, #tpu.memory_space<vmem>>[vector<16xi32>], vector<16xi32>,
      %and3A_549 = arith.constant 1 : i32
      %and3A_550 = vector.broadcast %and3A_549 : i32 to vector<16xi32>
      %and3A_551 = arith.andi %gather3A_548, %and3A_550 : vector<16xi32>
      %eq3A_552 = arith.constant 0 : i32
      %eq3A_553 = vector.broadcast %eq3A_552 : i32 to vector<16xi32>
      %eq3A_554 = arith.cmpi eq, %and3A_551, %eq3A_553 : vector<16xi32>
      %shift_left3A_555 = arith.constant 16 : i32
      %shift_left3A_556 = vector.broadcast %shift_left3A_555 : i32 to vector<16xi32>
      %shift_left3A_557 = arith.shli %and3A_542, %shift_left3A_556 : vector<16xi32>
      %select_n3A_558 = arith.select %eq3A_554, %and3A_542, %shift_left3A_557 : vector<16xi1>, vector<16xi32>
      %bitcast3A_559 = vector.bitcast %select_n3A_558 : vector<16xi32> to vector<32xbf16>
      %broadcast_in_dim3A_560 = vector.broadcast %add3A_73 : i32 to vector<16xi32>
      %broadcast_in_dim3A_561 = arith.constant 3 : i32
      %broadcast_in_dim3A_562 = vector.broadcast %broadcast_in_dim3A_561 : i32 to vector<16xi32>
      %gather3A_563 = tpu.vector_load_idx %arg8[%broadcast_in_dim3A_560, %broadcast_in_dim3A_562] : memref<128x8xi32, #tpu.memory_space<vmem>>[vector<16xi32>, vector<16xi32>], vector<16xi32>,
      %and3A_564 = arith.constant 65535 : i32
      %and3A_565 = vector.broadcast %and3A_564 : i32 to vector<16xi32>
      %and3A_566 = arith.andi %gather3A_563, %and3A_565 : vector<16xi32>
      %mul3A_567 = arith.constant 16 : i32
      %mul3A_568 = arith.muli %add3A_73, %mul3A_567 : i32
      %add3A_569 = arith.constant 3 : i32
      %add3A_570 = arith.addi %mul3A_568, %add3A_569 : i32
      %broadcast_in_dim3A_571 = vector.broadcast %add3A_570 : i32 to vector<16xi32>
      %gather3A_572 = tpu.vector_load_idx %arg6[%broadcast_in_dim3A_571] : memref<2048xi32, #tpu.memory_space<vmem>>[vector<16xi32>], vector<16xi32>,
      %and3A_573 = arith.constant 1 : i32
      %and3A_574 = vector.broadcast %and3A_573 : i32 to vector<16xi32>
      %and3A_575 = arith.andi %gather3A_572, %and3A_574 : vector<16xi32>
      %eq3A_576 = arith.constant 0 : i32
      %eq3A_577 = vector.broadcast %eq3A_576 : i32 to vector<16xi32>
      %eq3A_578 = arith.cmpi eq, %and3A_575, %eq3A_577 : vector<16xi32>
      %shift_left3A_579 = arith.constant 16 : i32
      %shift_left3A_580 = vector.broadcast %shift_left3A_579 : i32 to vector<16xi32>
      %shift_left3A_581 = arith.shli %and3A_566, %shift_left3A_580 : vector<16xi32>
      %select_n3A_582 = arith.select %eq3A_578, %and3A_566, %shift_left3A_581 : vector<16xi1>, vector<16xi32>
      %bitcast3A_583 = vector.bitcast %select_n3A_582 : vector<16xi32> to vector<32xbf16>
      %broadcast_in_dim3A_584 = vector.broadcast %add3A_73 : i32 to vector<16xi32>
      %broadcast_in_dim3A_585 = arith.constant 4 : i32
      %broadcast_in_dim3A_586 = vector.broadcast %broadcast_in_dim3A_585 : i32 to vector<16xi32>
      %gather3A_587 = tpu.vector_load_idx %arg8[%broadcast_in_dim3A_584, %broadcast_in_dim3A_586] : memref<128x8xi32, #tpu.memory_space<vmem>>[vector<16xi32>, vector<16xi32>], vector<16xi32>,
      %and3A_588 = arith.constant 65535 : i32
      %and3A_589 = vector.broadcast %and3A_588 : i32 to vector<16xi32>
      %and3A_590 = arith.andi %gather3A_587, %and3A_589 : vector<16xi32>
      %mul3A_591 = arith.constant 16 : i32
      %mul3A_592 = arith.muli %add3A_73, %mul3A_591 : i32
      %add3A_593 = arith.constant 4 : i32
      %add3A_594 = arith.addi %mul3A_592, %add3A_593 : i32
      %broadcast_in_dim3A_595 = vector.broadcast %add3A_594 : i32 to vector<16xi32>
      %gather3A_596 = tpu.vector_load_idx %arg6[%broadcast_in_dim3A_595] : memref<2048xi32, #tpu.memory_space<vmem>>[vector<16xi32>], vector<16xi32>,
      %and3A_597 = arith.constant 1 : i32
      %and3A_598 = vector.broadcast %and3A_597 : i32 to vector<16xi32>
      %and3A_599 = arith.andi %gather3A_596, %and3A_598 : vector<16xi32>
      %eq3A_600 = arith.constant 0 : i32
      %eq3A_601 = vector.broadcast %eq3A_600 : i32 to vector<16xi32>
      %eq3A_602 = arith.cmpi eq, %and3A_599, %eq3A_601 : vector<16xi32>
      %shift_left3A_603 = arith.constant 16 : i32
      %shift_left3A_604 = vector.broadcast %shift_left3A_603 : i32 to vector<16xi32>
      %shift_left3A_605 = arith.shli %and3A_590, %shift_left3A_604 : vector<16xi32>
      %select_n3A_606 = arith.select %eq3A_602, %and3A_590, %shift_left3A_605 : vector<16xi1>, vector<16xi32>
      %bitcast3A_607 = vector.bitcast %select_n3A_606 : vector<16xi32> to vector<32xbf16>
      %broadcast_in_dim3A_608 = vector.broadcast %add3A_73 : i32 to vector<16xi32>
      %broadcast_in_dim3A_609 = arith.constant 5 : i32
      %broadcast_in_dim3A_610 = vector.broadcast %broadcast_in_dim3A_609 : i32 to vector<16xi32>
      %gather3A_611 = tpu.vector_load_idx %arg8[%broadcast_in_dim3A_608, %broadcast_in_dim3A_610] : memref<128x8xi32, #tpu.memory_space<vmem>>[vector<16xi32>, vector<16xi32>], vector<16xi32>,
      %and3A_612 = arith.constant 65535 : i32
      %and3A_613 = vector.broadcast %and3A_612 : i32 to vector<16xi32>
      %and3A_614 = arith.andi %gather3A_611, %and3A_613 : vector<16xi32>
      %mul3A_615 = arith.constant 16 : i32
      %mul3A_616 = arith.muli %add3A_73, %mul3A_615 : i32
      %add3A_617 = arith.constant 5 : i32
      %add3A_618 = arith.addi %mul3A_616, %add3A_617 : i32
      %broadcast_in_dim3A_619 = vector.broadcast %add3A_618 : i32 to vector<16xi32>
      %gather3A_620 = tpu.vector_load_idx %arg6[%broadcast_in_dim3A_619] : memref<2048xi32, #tpu.memory_space<vmem>>[vector<16xi32>], vector<16xi32>,
      %and3A_621 = arith.constant 1 : i32
      %and3A_622 = vector.broadcast %and3A_621 : i32 to vector<16xi32>
      %and3A_623 = arith.andi %gather3A_620, %and3A_622 : vector<16xi32>
      %eq3A_624 = arith.constant 0 : i32
      %eq3A_625 = vector.broadcast %eq3A_624 : i32 to vector<16xi32>
      %eq3A_626 = arith.cmpi eq, %and3A_623, %eq3A_625 : vector<16xi32>
      %shift_left3A_627 = arith.constant 16 : i32
      %shift_left3A_628 = vector.broadcast %shift_left3A_627 : i32 to vector<16xi32>
      %shift_left3A_629 = arith.shli %and3A_614, %shift_left3A_628 : vector<16xi32>
      %select_n3A_630 = arith.select %eq3A_626, %and3A_614, %shift_left3A_629 : vector<16xi1>, vector<16xi32>
      %bitcast3A_631 = vector.bitcast %select_n3A_630 : vector<16xi32> to vector<32xbf16>
      %broadcast_in_dim3A_632 = vector.broadcast %add3A_73 : i32 to vector<16xi32>
      %broadcast_in_dim3A_633 = arith.constant 6 : i32
      %broadcast_in_dim3A_634 = vector.broadcast %broadcast_in_dim3A_633 : i32 to vector<16xi32>
      %gather3A_635 = tpu.vector_load_idx %arg8[%broadcast_in_dim3A_632, %broadcast_in_dim3A_634] : memref<128x8xi32, #tpu.memory_space<vmem>>[vector<16xi32>, vector<16xi32>], vector<16xi32>,
      %and3A_636 = arith.constant 65535 : i32
      %and3A_637 = vector.broadcast %and3A_636 : i32 to vector<16xi32>
      %and3A_638 = arith.andi %gather3A_635, %and3A_637 : vector<16xi32>
      %mul3A_639 = arith.constant 16 : i32
      %mul3A_640 = arith.muli %add3A_73, %mul3A_639 : i32
      %add3A_641 = arith.constant 6 : i32
      %add3A_642 = arith.addi %mul3A_640, %add3A_641 : i32
      %broadcast_in_dim3A_643 = vector.broadcast %add3A_642 : i32 to vector<16xi32>
      %gather3A_644 = tpu.vector_load_idx %arg6[%broadcast_in_dim3A_643] : memref<2048xi32, #tpu.memory_space<vmem>>[vector<16xi32>], vector<16xi32>,
      %and3A_645 = arith.constant 1 : i32
      %and3A_646 = vector.broadcast %and3A_645 : i32 to vector<16xi32>
      %and3A_647 = arith.andi %gather3A_644, %and3A_646 : vector<16xi32>
      %eq3A_648 = arith.constant 0 : i32
      %eq3A_649 = vector.broadcast %eq3A_648 : i32 to vector<16xi32>
      %eq3A_650 = arith.cmpi eq, %and3A_647, %eq3A_649 : vector<16xi32>
      %shift_left3A_651 = arith.constant 16 : i32
      %shift_left3A_652 = vector.broadcast %shift_left3A_651 : i32 to vector<16xi32>
      %shift_left3A_653 = arith.shli %and3A_638, %shift_left3A_652 : vector<16xi32>
      %select_n3A_654 = arith.select %eq3A_650, %and3A_638, %shift_left3A_653 : vector<16xi1>, vector<16xi32>
      %bitcast3A_655 = vector.bitcast %select_n3A_654 : vector<16xi32> to vector<32xbf16>
      %broadcast_in_dim3A_656 = vector.broadcast %add3A_73 : i32 to vector<16xi32>
      %broadcast_in_dim3A_657 = arith.constant 7 : i32
      %broadcast_in_dim3A_658 = vector.broadcast %broadcast_in_dim3A_657 : i32 to vector<16xi32>
      %gather3A_659 = tpu.vector_load_idx %arg8[%broadcast_in_dim3A_656, %broadcast_in_dim3A_658] : memref<128x8xi32, #tpu.memory_space<vmem>>[vector<16xi32>, vector<16xi32>], vector<16xi32>,
      %and3A_660 = arith.constant 65535 : i32
      %and3A_661 = vector.broadcast %and3A_660 : i32 to vector<16xi32>
      %and3A_662 = arith.andi %gather3A_659, %and3A_661 : vector<16xi32>
      %mul3A_663 = arith.constant 16 : i32
      %mul3A_664 = arith.muli %add3A_73, %mul3A_663 : i32
      %add3A_665 = arith.constant 7 : i32
      %add3A_666 = arith.addi %mul3A_664, %add3A_665 : i32
      %broadcast_in_dim3A_667 = vector.broadcast %add3A_666 : i32 to vector<16xi32>
      %gather3A_668 = tpu.vector_load_idx %arg6[%broadcast_in_dim3A_667] : memref<2048xi32, #tpu.memory_space<vmem>>[vector<16xi32>], vector<16xi32>,
      %and3A_669 = arith.constant 1 : i32
      %and3A_670 = vector.broadcast %and3A_669 : i32 to vector<16xi32>
      %and3A_671 = arith.andi %gather3A_668, %and3A_670 : vector<16xi32>
      %eq3A_672 = arith.constant 0 : i32
      %eq3A_673 = vector.broadcast %eq3A_672 : i32 to vector<16xi32>
      %eq3A_674 = arith.cmpi eq, %and3A_671, %eq3A_673 : vector<16xi32>
      %shift_left3A_675 = arith.constant 16 : i32
      %shift_left3A_676 = vector.broadcast %shift_left3A_675 : i32 to vector<16xi32>
      %shift_left3A_677 = arith.shli %and3A_662, %shift_left3A_676 : vector<16xi32>
      %select_n3A_678 = arith.select %eq3A_674, %and3A_662, %shift_left3A_677 : vector<16xi1>, vector<16xi32>
      %bitcast3A_679 = vector.bitcast %select_n3A_678 : vector<16xi32> to vector<32xbf16>
      %broadcast_in_dim3A_680 = vector.broadcast %add3A_73 : i32 to vector<16xi32>
      %broadcast_in_dim3A_681 = arith.constant 0 : i32
      %broadcast_in_dim3A_682 = vector.broadcast %broadcast_in_dim3A_681 : i32 to vector<16xi32>
      %gather3A_683 = tpu.vector_load_idx %arg8[%broadcast_in_dim3A_680, %broadcast_in_dim3A_682] : memref<128x8xi32, #tpu.memory_space<vmem>>[vector<16xi32>, vector<16xi32>], vector<16xi32>,
      %shift_right_logical3A_684 = arith.constant 16 : i32
      %shift_right_logical3A_685 = vector.broadcast %shift_right_logical3A_684 : i32 to vector<16xi32>
      %shift_right_logical3A_686 = arith.shrui %gather3A_683, %shift_right_logical3A_685 : vector<16xi32>
      %mul3A_687 = arith.constant 16 : i32
      %mul3A_688 = arith.muli %add3A_73, %mul3A_687 : i32
      %add3A_689 = arith.constant 8 : i32
      %add3A_690 = arith.addi %mul3A_688, %add3A_689 : i32
      %broadcast_in_dim3A_691 = vector.broadcast %add3A_690 : i32 to vector<16xi32>
      %gather3A_692 = tpu.vector_load_idx %arg6[%broadcast_in_dim3A_691] : memref<2048xi32, #tpu.memory_space<vmem>>[vector<16xi32>], vector<16xi32>,
      %and3A_693 = arith.constant 1 : i32
      %and3A_694 = vector.broadcast %and3A_693 : i32 to vector<16xi32>
      %and3A_695 = arith.andi %gather3A_692, %and3A_694 : vector<16xi32>
      %eq3A_696 = arith.constant 0 : i32
      %eq3A_697 = vector.broadcast %eq3A_696 : i32 to vector<16xi32>
      %eq3A_698 = arith.cmpi eq, %and3A_695, %eq3A_697 : vector<16xi32>
      %shift_left3A_699 = arith.constant 16 : i32
      %shift_left3A_700 = vector.broadcast %shift_left3A_699 : i32 to vector<16xi32>
      %shift_left3A_701 = arith.shli %shift_right_logical3A_686, %shift_left3A_700 : vector<16xi32>
      %select_n3A_702 = arith.select %eq3A_698, %shift_right_logical3A_686, %shift_left3A_701 : vector<16xi1>, vector<16xi32>
      %bitcast3A_703 = vector.bitcast %select_n3A_702 : vector<16xi32> to vector<32xbf16>
      %broadcast_in_dim3A_704 = vector.broadcast %add3A_73 : i32 to vector<16xi32>
      %broadcast_in_dim3A_705 = arith.constant 1 : i32
      %broadcast_in_dim3A_706 = vector.broadcast %broadcast_in_dim3A_705 : i32 to vector<16xi32>
      %gather3A_707 = tpu.vector_load_idx %arg8[%broadcast_in_dim3A_704, %broadcast_in_dim3A_706] : memref<128x8xi32, #tpu.memory_space<vmem>>[vector<16xi32>, vector<16xi32>], vector<16xi32>,
      %shift_right_logical3A_708 = arith.constant 16 : i32
      %shift_right_logical3A_709 = vector.broadcast %shift_right_logical3A_708 : i32 to vector<16xi32>
      %shift_right_logical3A_710 = arith.shrui %gather3A_707, %shift_right_logical3A_709 : vector<16xi32>
      %mul3A_711 = arith.constant 16 : i32
      %mul3A_712 = arith.muli %add3A_73, %mul3A_711 : i32
      %add3A_713 = arith.constant 9 : i32
      %add3A_714 = arith.addi %mul3A_712, %add3A_713 : i32
      %broadcast_in_dim3A_715 = vector.broadcast %add3A_714 : i32 to vector<16xi32>
      %gather3A_716 = tpu.vector_load_idx %arg6[%broadcast_in_dim3A_715] : memref<2048xi32, #tpu.memory_space<vmem>>[vector<16xi32>], vector<16xi32>,
      %and3A_717 = arith.constant 1 : i32
      %and3A_718 = vector.broadcast %and3A_717 : i32 to vector<16xi32>
      %and3A_719 = arith.andi %gather3A_716, %and3A_718 : vector<16xi32>
      %eq3A_720 = arith.constant 0 : i32
      %eq3A_721 = vector.broadcast %eq3A_720 : i32 to vector<16xi32>
      %eq3A_722 = arith.cmpi eq, %and3A_719, %eq3A_721 : vector<16xi32>
      %shift_left3A_723 = arith.constant 16 : i32
      %shift_left3A_724 = vector.broadcast %shift_left3A_723 : i32 to vector<16xi32>
      %shift_left3A_725 = arith.shli %shift_right_logical3A_710, %shift_left3A_724 : vector<16xi32>
      %select_n3A_726 = arith.select %eq3A_722, %shift_right_logical3A_710, %shift_left3A_725 : vector<16xi1>, vector<16xi32>
      %bitcast3A_727 = vector.bitcast %select_n3A_726 : vector<16xi32> to vector<32xbf16>
      %broadcast_in_dim3A_728 = vector.broadcast %add3A_73 : i32 to vector<16xi32>
      %broadcast_in_dim3A_729 = arith.constant 2 : i32
      %broadcast_in_dim3A_730 = vector.broadcast %broadcast_in_dim3A_729 : i32 to vector<16xi32>
      %gather3A_731 = tpu.vector_load_idx %arg8[%broadcast_in_dim3A_728, %broadcast_in_dim3A_730] : memref<128x8xi32, #tpu.memory_space<vmem>>[vector<16xi32>, vector<16xi32>], vector<16xi32>,
      %shift_right_logical3A_732 = arith.constant 16 : i32
      %shift_right_logical3A_733 = vector.broadcast %shift_right_logical3A_732 : i32 to vector<16xi32>
      %shift_right_logical3A_734 = arith.shrui %gather3A_731, %shift_right_logical3A_733 : vector<16xi32>
      %mul3A_735 = arith.constant 16 : i32
      %mul3A_736 = arith.muli %add3A_73, %mul3A_735 : i32
      %add3A_737 = arith.constant 10 : i32
      %add3A_738 = arith.addi %mul3A_736, %add3A_737 : i32
      %broadcast_in_dim3A_739 = vector.broadcast %add3A_738 : i32 to vector<16xi32>
      %gather3A_740 = tpu.vector_load_idx %arg6[%broadcast_in_dim3A_739] : memref<2048xi32, #tpu.memory_space<vmem>>[vector<16xi32>], vector<16xi32>,
      %and3A_741 = arith.constant 1 : i32
      %and3A_742 = vector.broadcast %and3A_741 : i32 to vector<16xi32>
      %and3A_743 = arith.andi %gather3A_740, %and3A_742 : vector<16xi32>
      %eq3A_744 = arith.constant 0 : i32
      %eq3A_745 = vector.broadcast %eq3A_744 : i32 to vector<16xi32>
      %eq3A_746 = arith.cmpi eq, %and3A_743, %eq3A_745 : vector<16xi32>
      %shift_left3A_747 = arith.constant 16 : i32
      %shift_left3A_748 = vector.broadcast %shift_left3A_747 : i32 to vector<16xi32>
      %shift_left3A_749 = arith.shli %shift_right_logical3A_734, %shift_left3A_748 : vector<16xi32>
      %select_n3A_750 = arith.select %eq3A_746, %shift_right_logical3A_734, %shift_left3A_749 : vector<16xi1>, vector<16xi32>
      %bitcast3A_751 = vector.bitcast %select_n3A_750 : vector<16xi32> to vector<32xbf16>
      %broadcast_in_dim3A_752 = vector.broadcast %add3A_73 : i32 to vector<16xi32>
      %broadcast_in_dim3A_753 = arith.constant 3 : i32
      %broadcast_in_dim3A_754 = vector.broadcast %broadcast_in_dim3A_753 : i32 to vector<16xi32>
      %gather3A_755 = tpu.vector_load_idx %arg8[%broadcast_in_dim3A_752, %broadcast_in_dim3A_754] : memref<128x8xi32, #tpu.memory_space<vmem>>[vector<16xi32>, vector<16xi32>], vector<16xi32>,
      %shift_right_logical3A_756 = arith.constant 16 : i32
      %shift_right_logical3A_757 = vector.broadcast %shift_right_logical3A_756 : i32 to vector<16xi32>
      %shift_right_logical3A_758 = arith.shrui %gather3A_755, %shift_right_logical3A_757 : vector<16xi32>
      %mul3A_759 = arith.constant 16 : i32
      %mul3A_760 = arith.muli %add3A_73, %mul3A_759 : i32
      %add3A_761 = arith.constant 11 : i32
      %add3A_762 = arith.addi %mul3A_760, %add3A_761 : i32
      %broadcast_in_dim3A_763 = vector.broadcast %add3A_762 : i32 to vector<16xi32>
      %gather3A_764 = tpu.vector_load_idx %arg6[%broadcast_in_dim3A_763] : memref<2048xi32, #tpu.memory_space<vmem>>[vector<16xi32>], vector<16xi32>,
      %and3A_765 = arith.constant 1 : i32
      %and3A_766 = vector.broadcast %and3A_765 : i32 to vector<16xi32>
      %and3A_767 = arith.andi %gather3A_764, %and3A_766 : vector<16xi32>
      %eq3A_768 = arith.constant 0 : i32
      %eq3A_769 = vector.broadcast %eq3A_768 : i32 to vector<16xi32>
      %eq3A_770 = arith.cmpi eq, %and3A_767, %eq3A_769 : vector<16xi32>
      %shift_left3A_771 = arith.constant 16 : i32
      %shift_left3A_772 = vector.broadcast %shift_left3A_771 : i32 to vector<16xi32>
      %shift_left3A_773 = arith.shli %shift_right_logical3A_758, %shift_left3A_772 : vector<16xi32>
      %select_n3A_774 = arith.select %eq3A_770, %shift_right_logical3A_758, %shift_left3A_773 : vector<16xi1>, vector<16xi32>
      %bitcast3A_775 = vector.bitcast %select_n3A_774 : vector<16xi32> to vector<32xbf16>
      %broadcast_in_dim3A_776 = vector.broadcast %add3A_73 : i32 to vector<16xi32>
      %broadcast_in_dim3A_777 = arith.constant 4 : i32
      %broadcast_in_dim3A_778 = vector.broadcast %broadcast_in_dim3A_777 : i32 to vector<16xi32>
      %gather3A_779 = tpu.vector_load_idx %arg8[%broadcast_in_dim3A_776, %broadcast_in_dim3A_778] : memref<128x8xi32, #tpu.memory_space<vmem>>[vector<16xi32>, vector<16xi32>], vector<16xi32>,
      %shift_right_logical3A_780 = arith.constant 16 : i32
      %shift_right_logical3A_781 = vector.broadcast %shift_right_logical3A_780 : i32 to vector<16xi32>
      %shift_right_logical3A_782 = arith.shrui %gather3A_779, %shift_right_logical3A_781 : vector<16xi32>
      %mul3A_783 = arith.constant 16 : i32
      %mul3A_784 = arith.muli %add3A_73, %mul3A_783 : i32
      %add3A_785 = arith.constant 12 : i32
      %add3A_786 = arith.addi %mul3A_784, %add3A_785 : i32
      %broadcast_in_dim3A_787 = vector.broadcast %add3A_786 : i32 to vector<16xi32>
      %gather3A_788 = tpu.vector_load_idx %arg6[%broadcast_in_dim3A_787] : memref<2048xi32, #tpu.memory_space<vmem>>[vector<16xi32>], vector<16xi32>,
      %and3A_789 = arith.constant 1 : i32
      %and3A_790 = vector.broadcast %and3A_789 : i32 to vector<16xi32>
      %and3A_791 = arith.andi %gather3A_788, %and3A_790 : vector<16xi32>
      %eq3A_792 = arith.constant 0 : i32
      %eq3A_793 = vector.broadcast %eq3A_792 : i32 to vector<16xi32>
      %eq3A_794 = arith.cmpi eq, %and3A_791, %eq3A_793 : vector<16xi32>
      %shift_left3A_795 = arith.constant 16 : i32
      %shift_left3A_796 = vector.broadcast %shift_left3A_795 : i32 to vector<16xi32>
      %shift_left3A_797 = arith.shli %shift_right_logical3A_782, %shift_left3A_796 : vector<16xi32>
      %select_n3A_798 = arith.select %eq3A_794, %shift_right_logical3A_782, %shift_left3A_797 : vector<16xi1>, vector<16xi32>
      %bitcast3A_799 = vector.bitcast %select_n3A_798 : vector<16xi32> to vector<32xbf16>
      %broadcast_in_dim3A_800 = vector.broadcast %add3A_73 : i32 to vector<16xi32>
      %broadcast_in_dim3A_801 = arith.constant 5 : i32
      %broadcast_in_dim3A_802 = vector.broadcast %broadcast_in_dim3A_801 : i32 to vector<16xi32>
      %gather3A_803 = tpu.vector_load_idx %arg8[%broadcast_in_dim3A_800, %broadcast_in_dim3A_802] : memref<128x8xi32, #tpu.memory_space<vmem>>[vector<16xi32>, vector<16xi32>], vector<16xi32>,
      %shift_right_logical3A_804 = arith.constant 16 : i32
      %shift_right_logical3A_805 = vector.broadcast %shift_right_logical3A_804 : i32 to vector<16xi32>
      %shift_right_logical3A_806 = arith.shrui %gather3A_803, %shift_right_logical3A_805 : vector<16xi32>
      %mul3A_807 = arith.constant 16 : i32
      %mul3A_808 = arith.muli %add3A_73, %mul3A_807 : i32
      %add3A_809 = arith.constant 13 : i32
      %add3A_810 = arith.addi %mul3A_808, %add3A_809 : i32
      %broadcast_in_dim3A_811 = vector.broadcast %add3A_810 : i32 to vector<16xi32>
      %gather3A_812 = tpu.vector_load_idx %arg6[%broadcast_in_dim3A_811] : memref<2048xi32, #tpu.memory_space<vmem>>[vector<16xi32>], vector<16xi32>,
      %and3A_813 = arith.constant 1 : i32
      %and3A_814 = vector.broadcast %and3A_813 : i32 to vector<16xi32>
      %and3A_815 = arith.andi %gather3A_812, %and3A_814 : vector<16xi32>
      %eq3A_816 = arith.constant 0 : i32
      %eq3A_817 = vector.broadcast %eq3A_816 : i32 to vector<16xi32>
      %eq3A_818 = arith.cmpi eq, %and3A_815, %eq3A_817 : vector<16xi32>
      %shift_left3A_819 = arith.constant 16 : i32
      %shift_left3A_820 = vector.broadcast %shift_left3A_819 : i32 to vector<16xi32>
      %shift_left3A_821 = arith.shli %shift_right_logical3A_806, %shift_left3A_820 : vector<16xi32>
      %select_n3A_822 = arith.select %eq3A_818, %shift_right_logical3A_806, %shift_left3A_821 : vector<16xi1>, vector<16xi32>
      %bitcast3A_823 = vector.bitcast %select_n3A_822 : vector<16xi32> to vector<32xbf16>
      %broadcast_in_dim3A_824 = vector.broadcast %add3A_73 : i32 to vector<16xi32>
      %broadcast_in_dim3A_825 = arith.constant 6 : i32
      %broadcast_in_dim3A_826 = vector.broadcast %broadcast_in_dim3A_825 : i32 to vector<16xi32>
      %gather3A_827 = tpu.vector_load_idx %arg8[%broadcast_in_dim3A_824, %broadcast_in_dim3A_826] : memref<128x8xi32, #tpu.memory_space<vmem>>[vector<16xi32>, vector<16xi32>], vector<16xi32>,
      %shift_right_logical3A_828 = arith.constant 16 : i32
      %shift_right_logical3A_829 = vector.broadcast %shift_right_logical3A_828 : i32 to vector<16xi32>
      %shift_right_logical3A_830 = arith.shrui %gather3A_827, %shift_right_logical3A_829 : vector<16xi32>
      %mul3A_831 = arith.constant 16 : i32
      %mul3A_832 = arith.muli %add3A_73, %mul3A_831 : i32
      %add3A_833 = arith.constant 14 : i32
      %add3A_834 = arith.addi %mul3A_832, %add3A_833 : i32
      %broadcast_in_dim3A_835 = vector.broadcast %add3A_834 : i32 to vector<16xi32>
      %gather3A_836 = tpu.vector_load_idx %arg6[%broadcast_in_dim3A_835] : memref<2048xi32, #tpu.memory_space<vmem>>[vector<16xi32>], vector<16xi32>,
      %and3A_837 = arith.constant 1 : i32
      %and3A_838 = vector.broadcast %and3A_837 : i32 to vector<16xi32>
      %and3A_839 = arith.andi %gather3A_836, %and3A_838 : vector<16xi32>
      %eq3A_840 = arith.constant 0 : i32
      %eq3A_841 = vector.broadcast %eq3A_840 : i32 to vector<16xi32>
      %eq3A_842 = arith.cmpi eq, %and3A_839, %eq3A_841 : vector<16xi32>
      %shift_left3A_843 = arith.constant 16 : i32
      %shift_left3A_844 = vector.broadcast %shift_left3A_843 : i32 to vector<16xi32>
      %shift_left3A_845 = arith.shli %shift_right_logical3A_830, %shift_left3A_844 : vector<16xi32>
      %select_n3A_846 = arith.select %eq3A_842, %shift_right_logical3A_830, %shift_left3A_845 : vector<16xi1>, vector<16xi32>
      %bitcast3A_847 = vector.bitcast %select_n3A_846 : vector<16xi32> to vector<32xbf16>
      %broadcast_in_dim3A_848 = vector.broadcast %add3A_73 : i32 to vector<16xi32>
      %broadcast_in_dim3A_849 = arith.constant 7 : i32
      %broadcast_in_dim3A_850 = vector.broadcast %broadcast_in_dim3A_849 : i32 to vector<16xi32>
      %gather3A_851 = tpu.vector_load_idx %arg8[%broadcast_in_dim3A_848, %broadcast_in_dim3A_850] : memref<128x8xi32, #tpu.memory_space<vmem>>[vector<16xi32>, vector<16xi32>], vector<16xi32>,
      %shift_right_logical3A_852 = arith.constant 16 : i32
      %shift_right_logical3A_853 = vector.broadcast %shift_right_logical3A_852 : i32 to vector<16xi32>
      %shift_right_logical3A_854 = arith.shrui %gather3A_851, %shift_right_logical3A_853 : vector<16xi32>
      %mul3A_855 = arith.constant 16 : i32
      %mul3A_856 = arith.muli %add3A_73, %mul3A_855 : i32
      %add3A_857 = arith.constant 15 : i32
      %add3A_858 = arith.addi %mul3A_856, %add3A_857 : i32
      %broadcast_in_dim3A_859 = vector.broadcast %add3A_858 : i32 to vector<16xi32>
      %gather3A_860 = tpu.vector_load_idx %arg6[%broadcast_in_dim3A_859] : memref<2048xi32, #tpu.memory_space<vmem>>[vector<16xi32>], vector<16xi32>,
      %and3A_861 = arith.constant 1 : i32
      %and3A_862 = vector.broadcast %and3A_861 : i32 to vector<16xi32>
      %and3A_863 = arith.andi %gather3A_860, %and3A_862 : vector<16xi32>
      %eq3A_864 = arith.constant 0 : i32
      %eq3A_865 = vector.broadcast %eq3A_864 : i32 to vector<16xi32>
      %eq3A_866 = arith.cmpi eq, %and3A_863, %eq3A_865 : vector<16xi32>
      %shift_left3A_867 = arith.constant 16 : i32
      %shift_left3A_868 = vector.broadcast %shift_left3A_867 : i32 to vector<16xi32>
      %shift_left3A_869 = arith.shli %shift_right_logical3A_854, %shift_left3A_868 : vector<16xi32>
      %select_n3A_870 = arith.select %eq3A_866, %shift_right_logical3A_854, %shift_left3A_869 : vector<16xi1>, vector<16xi32>
      %bitcast3A_871 = vector.bitcast %select_n3A_870 : vector<16xi32> to vector<32xbf16>
      %parallel_loop3A_872 = arith.constant 0 : i32
      %parallel_loop3A_873 = arith.constant 128 : i32
      %parallel_loop3A_874 = arith.constant 1 : i32
      scf.for %parallel_loop3A_877 = %parallel_loop3A_872 to %parallel_loop3A_873 step %parallel_loop3A_874  : i32 {
        %parallel_loop3A_878 = arith.constant 16 : i32
        %parallel_loop3A_879 = arith.muli %parallel_loop3A_877, %parallel_loop3A_878 : i32
        %parallel_loop3A_880 = arith.constant 0 : i32
        %parallel_loop3A_881 = arith.index_cast %parallel_loop3A_880 : i32 to index
        %parallel_loop3A_882 = arith.index_cast %parallel_loop3A_879 : i32 to index
        %parallel_loop3A_883 = tpu.vector_load %arg10[%parallel_loop3A_881, %parallel_loop3A_882] {strides = array<i32>} : memref<16x2048xi32, #tpu.memory_space<vmem>>, vector<16xi32>,
        %parallel_loop3A_884 = vector.bitcast %parallel_loop3A_883 : vector<16xi32> to vector<32xbf16>
        %parallel_loop3A_885 = arith.mulf %parallel_loop3A_884, %bitcast3A_511 : vector<32xbf16>
        %parallel_loop3A_886 = arith.constant 8 : i32
        %parallel_loop3A_887 = arith.index_cast %parallel_loop3A_886 : i32 to index
        %parallel_loop3A_888 = arith.index_cast %parallel_loop3A_879 : i32 to index
        %parallel_loop3A_889 = tpu.vector_load %arg10[%parallel_loop3A_887, %parallel_loop3A_888] {strides = array<i32>} : memref<16x2048xi32, #tpu.memory_space<vmem>>, vector<16xi32>,
        %parallel_loop3A_890 = vector.bitcast %parallel_loop3A_889 : vector<16xi32> to vector<32xbf16>
        %parallel_loop3A_891 = arith.mulf %parallel_loop3A_890, %bitcast3A_703 : vector<32xbf16>
        %parallel_loop3A_892 = arith.constant 1 : i32
        %parallel_loop3A_893 = arith.index_cast %parallel_loop3A_892 : i32 to index
        %parallel_loop3A_894 = arith.index_cast %parallel_loop3A_879 : i32 to index
        %parallel_loop3A_895 = tpu.vector_load %arg10[%parallel_loop3A_893, %parallel_loop3A_894] {strides = array<i32>} : memref<16x2048xi32, #tpu.memory_space<vmem>>, vector<16xi32>,
        %parallel_loop3A_896 = vector.bitcast %parallel_loop3A_895 : vector<16xi32> to vector<32xbf16>
        %parallel_loop3A_897 = arith.mulf %parallel_loop3A_896, %bitcast3A_535 : vector<32xbf16>
        %parallel_loop3A_898 = arith.addf %parallel_loop3A_885, %parallel_loop3A_897 : vector<32xbf16>
        %parallel_loop3A_899 = arith.constant 9 : i32
        %parallel_loop3A_900 = arith.index_cast %parallel_loop3A_899 : i32 to index
        %parallel_loop3A_901 = arith.index_cast %parallel_loop3A_879 : i32 to index
        %parallel_loop3A_902 = tpu.vector_load %arg10[%parallel_loop3A_900, %parallel_loop3A_901] {strides = array<i32>} : memref<16x2048xi32, #tpu.memory_space<vmem>>, vector<16xi32>,
        %parallel_loop3A_903 = vector.bitcast %parallel_loop3A_902 : vector<16xi32> to vector<32xbf16>
        %parallel_loop3A_904 = arith.mulf %parallel_loop3A_903, %bitcast3A_727 : vector<32xbf16>
        %parallel_loop3A_905 = arith.addf %parallel_loop3A_891, %parallel_loop3A_904 : vector<32xbf16>
        %parallel_loop3A_906 = arith.constant 2 : i32
        %parallel_loop3A_907 = arith.index_cast %parallel_loop3A_906 : i32 to index
        %parallel_loop3A_908 = arith.index_cast %parallel_loop3A_879 : i32 to index
        %parallel_loop3A_909 = tpu.vector_load %arg10[%parallel_loop3A_907, %parallel_loop3A_908] {strides = array<i32>} : memref<16x2048xi32, #tpu.memory_space<vmem>>, vector<16xi32>,
        %parallel_loop3A_910 = vector.bitcast %parallel_loop3A_909 : vector<16xi32> to vector<32xbf16>
        %parallel_loop3A_911 = arith.mulf %parallel_loop3A_910, %bitcast3A_559 : vector<32xbf16>
        %parallel_loop3A_912 = arith.addf %parallel_loop3A_898, %parallel_loop3A_911 : vector<32xbf16>
        %parallel_loop3A_913 = arith.constant 10 : i32
        %parallel_loop3A_914 = arith.index_cast %parallel_loop3A_913 : i32 to index
        %parallel_loop3A_915 = arith.index_cast %parallel_loop3A_879 : i32 to index
        %parallel_loop3A_916 = tpu.vector_load %arg10[%parallel_loop3A_914, %parallel_loop3A_915] {strides = array<i32>} : memref<16x2048xi32, #tpu.memory_space<vmem>>, vector<16xi32>,
        %parallel_loop3A_917 = vector.bitcast %parallel_loop3A_916 : vector<16xi32> to vector<32xbf16>
        %parallel_loop3A_918 = arith.mulf %parallel_loop3A_917, %bitcast3A_751 : vector<32xbf16>
        %parallel_loop3A_919 = arith.addf %parallel_loop3A_905, %parallel_loop3A_918 : vector<32xbf16>
        %parallel_loop3A_920 = arith.constant 3 : i32
        %parallel_loop3A_921 = arith.index_cast %parallel_loop3A_920 : i32 to index
        %parallel_loop3A_922 = arith.index_cast %parallel_loop3A_879 : i32 to index
        %parallel_loop3A_923 = tpu.vector_load %arg10[%parallel_loop3A_921, %parallel_loop3A_922] {strides = array<i32>} : memref<16x2048xi32, #tpu.memory_space<vmem>>, vector<16xi32>,
        %parallel_loop3A_924 = vector.bitcast %parallel_loop3A_923 : vector<16xi32> to vector<32xbf16>
        %parallel_loop3A_925 = arith.mulf %parallel_loop3A_924, %bitcast3A_583 : vector<32xbf16>
        %parallel_loop3A_926 = arith.addf %parallel_loop3A_912, %parallel_loop3A_925 : vector<32xbf16>
        %parallel_loop3A_927 = arith.constant 11 : i32
        %parallel_loop3A_928 = arith.index_cast %parallel_loop3A_927 : i32 to index
        %parallel_loop3A_929 = arith.index_cast %parallel_loop3A_879 : i32 to index
        %parallel_loop3A_930 = tpu.vector_load %arg10[%parallel_loop3A_928, %parallel_loop3A_929] {strides = array<i32>} : memref<16x2048xi32, #tpu.memory_space<vmem>>, vector<16xi32>,
        %parallel_loop3A_931 = vector.bitcast %parallel_loop3A_930 : vector<16xi32> to vector<32xbf16>
        %parallel_loop3A_932 = arith.mulf %parallel_loop3A_931, %bitcast3A_775 : vector<32xbf16>
        %parallel_loop3A_933 = arith.addf %parallel_loop3A_919, %parallel_loop3A_932 : vector<32xbf16>
        %parallel_loop3A_934 = arith.constant 4 : i32
        %parallel_loop3A_935 = arith.index_cast %parallel_loop3A_934 : i32 to index
        %parallel_loop3A_936 = arith.index_cast %parallel_loop3A_879 : i32 to index
        %parallel_loop3A_937 = tpu.vector_load %arg10[%parallel_loop3A_935, %parallel_loop3A_936] {strides = array<i32>} : memref<16x2048xi32, #tpu.memory_space<vmem>>, vector<16xi32>,
        %parallel_loop3A_938 = vector.bitcast %parallel_loop3A_937 : vector<16xi32> to vector<32xbf16>
        %parallel_loop3A_939 = arith.mulf %parallel_loop3A_938, %bitcast3A_607 : vector<32xbf16>
        %parallel_loop3A_940 = arith.addf %parallel_loop3A_926, %parallel_loop3A_939 : vector<32xbf16>
        %parallel_loop3A_941 = arith.constant 12 : i32
        %parallel_loop3A_942 = arith.index_cast %parallel_loop3A_941 : i32 to index
        %parallel_loop3A_943 = arith.index_cast %parallel_loop3A_879 : i32 to index
        %parallel_loop3A_944 = tpu.vector_load %arg10[%parallel_loop3A_942, %parallel_loop3A_943] {strides = array<i32>} : memref<16x2048xi32, #tpu.memory_space<vmem>>, vector<16xi32>,
        %parallel_loop3A_945 = vector.bitcast %parallel_loop3A_944 : vector<16xi32> to vector<32xbf16>
        %parallel_loop3A_946 = arith.mulf %parallel_loop3A_945, %bitcast3A_799 : vector<32xbf16>
        %parallel_loop3A_947 = arith.addf %parallel_loop3A_933, %parallel_loop3A_946 : vector<32xbf16>
        %parallel_loop3A_948 = arith.constant 5 : i32
        %parallel_loop3A_949 = arith.index_cast %parallel_loop3A_948 : i32 to index
        %parallel_loop3A_950 = arith.index_cast %parallel_loop3A_879 : i32 to index
        %parallel_loop3A_951 = tpu.vector_load %arg10[%parallel_loop3A_949, %parallel_loop3A_950] {strides = array<i32>} : memref<16x2048xi32, #tpu.memory_space<vmem>>, vector<16xi32>,
        %parallel_loop3A_952 = vector.bitcast %parallel_loop3A_951 : vector<16xi32> to vector<32xbf16>
        %parallel_loop3A_953 = arith.mulf %parallel_loop3A_952, %bitcast3A_631 : vector<32xbf16>
        %parallel_loop3A_954 = arith.addf %parallel_loop3A_940, %parallel_loop3A_953 : vector<32xbf16>
        %parallel_loop3A_955 = arith.constant 13 : i32
        %parallel_loop3A_956 = arith.index_cast %parallel_loop3A_955 : i32 to index
        %parallel_loop3A_957 = arith.index_cast %parallel_loop3A_879 : i32 to index
        %parallel_loop3A_958 = tpu.vector_load %arg10[%parallel_loop3A_956, %parallel_loop3A_957] {strides = array<i32>} : memref<16x2048xi32, #tpu.memory_space<vmem>>, vector<16xi32>,
        %parallel_loop3A_959 = vector.bitcast %parallel_loop3A_958 : vector<16xi32> to vector<32xbf16>
        %parallel_loop3A_960 = arith.mulf %parallel_loop3A_959, %bitcast3A_823 : vector<32xbf16>
        %parallel_loop3A_961 = arith.addf %parallel_loop3A_947, %parallel_loop3A_960 : vector<32xbf16>
        %parallel_loop3A_962 = arith.constant 6 : i32
        %parallel_loop3A_963 = arith.index_cast %parallel_loop3A_962 : i32 to index
        %parallel_loop3A_964 = arith.index_cast %parallel_loop3A_879 : i32 to index
        %parallel_loop3A_965 = tpu.vector_load %arg10[%parallel_loop3A_963, %parallel_loop3A_964] {strides = array<i32>} : memref<16x2048xi32, #tpu.memory_space<vmem>>, vector<16xi32>,
        %parallel_loop3A_966 = vector.bitcast %parallel_loop3A_965 : vector<16xi32> to vector<32xbf16>
        %parallel_loop3A_967 = arith.mulf %parallel_loop3A_966, %bitcast3A_655 : vector<32xbf16>
        %parallel_loop3A_968 = arith.addf %parallel_loop3A_954, %parallel_loop3A_967 : vector<32xbf16>
        %parallel_loop3A_969 = arith.constant 14 : i32
        %parallel_loop3A_970 = arith.index_cast %parallel_loop3A_969 : i32 to index
        %parallel_loop3A_971 = arith.index_cast %parallel_loop3A_879 : i32 to index
        %parallel_loop3A_972 = tpu.vector_load %arg10[%parallel_loop3A_970, %parallel_loop3A_971] {strides = array<i32>} : memref<16x2048xi32, #tpu.memory_space<vmem>>, vector<16xi32>,
        %parallel_loop3A_973 = vector.bitcast %parallel_loop3A_972 : vector<16xi32> to vector<32xbf16>
        %parallel_loop3A_974 = arith.mulf %parallel_loop3A_973, %bitcast3A_847 : vector<32xbf16>
        %parallel_loop3A_975 = arith.addf %parallel_loop3A_961, %parallel_loop3A_974 : vector<32xbf16>
        %parallel_loop3A_976 = arith.constant 7 : i32
        %parallel_loop3A_977 = arith.index_cast %parallel_loop3A_976 : i32 to index
        %parallel_loop3A_978 = arith.index_cast %parallel_loop3A_879 : i32 to index
        %parallel_loop3A_979 = tpu.vector_load %arg10[%parallel_loop3A_977, %parallel_loop3A_978] {strides = array<i32>} : memref<16x2048xi32, #tpu.memory_space<vmem>>, vector<16xi32>,
        %parallel_loop3A_980 = vector.bitcast %parallel_loop3A_979 : vector<16xi32> to vector<32xbf16>
        %parallel_loop3A_981 = arith.mulf %parallel_loop3A_980, %bitcast3A_679 : vector<32xbf16>
        %parallel_loop3A_982 = arith.addf %parallel_loop3A_968, %parallel_loop3A_981 : vector<32xbf16>
        %parallel_loop3A_983 = arith.constant 15 : i32
        %parallel_loop3A_984 = arith.index_cast %parallel_loop3A_983 : i32 to index
        %parallel_loop3A_985 = arith.index_cast %parallel_loop3A_879 : i32 to index
        %parallel_loop3A_986 = tpu.vector_load %arg10[%parallel_loop3A_984, %parallel_loop3A_985] {strides = array<i32>} : memref<16x2048xi32, #tpu.memory_space<vmem>>, vector<16xi32>,
        %parallel_loop3A_987 = vector.bitcast %parallel_loop3A_986 : vector<16xi32> to vector<32xbf16>
        %parallel_loop3A_988 = arith.mulf %parallel_loop3A_987, %bitcast3A_871 : vector<32xbf16>
        %parallel_loop3A_989 = arith.addf %parallel_loop3A_975, %parallel_loop3A_988 : vector<32xbf16>
        %parallel_loop3A_990 = vector.bitcast %parallel_loop3A_982 : vector<32xbf16> to vector<16xi32>
        %parallel_loop3A_991 = arith.constant 16 : i32
        %parallel_loop3A_992 = vector.broadcast %parallel_loop3A_991 : i32 to vector<16xi32>
        %parallel_loop3A_993 = arith.shli %parallel_loop3A_990, %parallel_loop3A_992 : vector<16xi32>
        %parallel_loop3A_994 = vector.bitcast %parallel_loop3A_993 : vector<16xi32> to vector<16xf32>
        %parallel_loop3A_995 = arith.constant -65536 : i32
        %parallel_loop3A_996 = vector.broadcast %parallel_loop3A_995 : i32 to vector<16xi32>
        %parallel_loop3A_997 = arith.andi %parallel_loop3A_990, %parallel_loop3A_996 : vector<16xi32>
        %parallel_loop3A_998 = vector.bitcast %parallel_loop3A_997 : vector<16xi32> to vector<16xf32>
        %parallel_loop3A_999 = arith.addf %parallel_loop3A_994, %parallel_loop3A_998 : vector<16xf32>
        %parallel_loop3A_1000 = vector.bitcast %parallel_loop3A_999 : vector<16xf32> to vector<16xi32>
        %parallel_loop3A_1001 = arith.constant 32767 : i32
        %parallel_loop3A_1002 = vector.broadcast %parallel_loop3A_1001 : i32 to vector<16xi32>
        %parallel_loop3A_1003 = arith.addi %parallel_loop3A_1000, %parallel_loop3A_1002 : vector<16xi32>
        %parallel_loop3A_1004 = arith.constant 16 : i32
        %parallel_loop3A_1005 = vector.broadcast %parallel_loop3A_1004 : i32 to vector<16xi32>
        %parallel_loop3A_1006 = arith.shrui %parallel_loop3A_1000, %parallel_loop3A_1005 : vector<16xi32>
        %parallel_loop3A_1007 = arith.constant 1 : i32
        %parallel_loop3A_1008 = vector.broadcast %parallel_loop3A_1007 : i32 to vector<16xi32>
        %parallel_loop3A_1009 = arith.andi %parallel_loop3A_1006, %parallel_loop3A_1008 : vector<16xi32>
        %parallel_loop3A_1010 = arith.addi %parallel_loop3A_1003, %parallel_loop3A_1009 : vector<16xi32>
        %parallel_loop3A_1011 = arith.constant 16 : i32
        %parallel_loop3A_1012 = vector.broadcast %parallel_loop3A_1011 : i32 to vector<16xi32>
        %parallel_loop3A_1013 = arith.shrui %parallel_loop3A_1010, %parallel_loop3A_1012 : vector<16xi32>
        %parallel_loop3A_1014 = vector.bitcast %parallel_loop3A_989 : vector<32xbf16> to vector<16xi32>
        %parallel_loop3A_1015 = arith.constant 16 : i32
        %parallel_loop3A_1016 = vector.broadcast %parallel_loop3A_1015 : i32 to vector<16xi32>
        %parallel_loop3A_1017 = arith.shli %parallel_loop3A_1014, %parallel_loop3A_1016 : vector<16xi32>
        %parallel_loop3A_1018 = vector.bitcast %parallel_loop3A_1017 : vector<16xi32> to vector<16xf32>
        %parallel_loop3A_1019 = arith.constant -65536 : i32
        %parallel_loop3A_1020 = vector.broadcast %parallel_loop3A_1019 : i32 to vector<16xi32>
        %parallel_loop3A_1021 = arith.andi %parallel_loop3A_1014, %parallel_loop3A_1020 : vector<16xi32>
        %parallel_loop3A_1022 = vector.bitcast %parallel_loop3A_1021 : vector<16xi32> to vector<16xf32>
        %parallel_loop3A_1023 = arith.addf %parallel_loop3A_1018, %parallel_loop3A_1022 : vector<16xf32>
        %parallel_loop3A_1024 = vector.bitcast %parallel_loop3A_1023 : vector<16xf32> to vector<16xi32>
        %parallel_loop3A_1025 = arith.constant 32767 : i32
        %parallel_loop3A_1026 = vector.broadcast %parallel_loop3A_1025 : i32 to vector<16xi32>
        %parallel_loop3A_1027 = arith.addi %parallel_loop3A_1024, %parallel_loop3A_1026 : vector<16xi32>
        %parallel_loop3A_1028 = arith.constant 16 : i32
        %parallel_loop3A_1029 = vector.broadcast %parallel_loop3A_1028 : i32 to vector<16xi32>
        %parallel_loop3A_1030 = arith.shrui %parallel_loop3A_1024, %parallel_loop3A_1029 : vector<16xi32>
        %parallel_loop3A_1031 = arith.constant 1 : i32
        %parallel_loop3A_1032 = vector.broadcast %parallel_loop3A_1031 : i32 to vector<16xi32>
        %parallel_loop3A_1033 = arith.andi %parallel_loop3A_1030, %parallel_loop3A_1032 : vector<16xi32>
        %parallel_loop3A_1034 = arith.addi %parallel_loop3A_1027, %parallel_loop3A_1033 : vector<16xi32>
        %parallel_loop3A_1035 = arith.constant -65536 : i32
        %parallel_loop3A_1036 = vector.broadcast %parallel_loop3A_1035 : i32 to vector<16xi32>
        %parallel_loop3A_1037 = arith.andi %parallel_loop3A_1034, %parallel_loop3A_1036 : vector<16xi32>
        %parallel_loop3A_1038 = arith.ori %parallel_loop3A_1013, %parallel_loop3A_1037 : vector<16xi32>
        %parallel_loop3A_1039 = arith.index_cast %parallel_loop3A_879 : i32 to index
        %parallel_loop3A_1040 = tpu.vector_load %arg12[%parallel_loop3A_1039] {strides = array<i32>} : memref<2048xi32, #tpu.memory_space<vmem>>, vector<16xi32>,
        tpu.vector_store %arg12[%parallel_loop3A_1039], %parallel_loop3A_1038 {strides = array<i32>} : memref<2048xi32, #tpu.memory_space<vmem>>, vector<16xi32>,
      } {sc.loop_unroll_factor = 2 : i64, sc.parallel_access}
      %add3A_875 = arith.addi %select_n3A_50, %add3A_73 : i32
      "tpu.region"() ({
        %run_scoped3A = tpu.sem_alloc : memref<!tpu.dma_semaphore, #tpu.memory_space<semaphore_mem>>
        %dma_start3A_877 = tpu.memref_bitcast %arg5 : memref<8192x2048xbf16, #tpu.memory_space<hbm>> -> memref<4096x2048xi32, #tpu.memory_space<hbm>>
        %dma_start3A_878 = arith.constant 0 : i32
        %dma_start3A_879 = tpu.memref_slice %dma_start3A_877[%add3A_875, %dma_start3A_878] : memref<4096x2048xi32, #tpu.memory_space<hbm>> -> memref<1x2048xi32, #tpu.memory_space<hbm>>
        %dma_start3A_880 = tpu.memref_squeeze %dma_start3A_879 : memref<1x2048xi32, #tpu.memory_space<hbm>> -> memref<2048xi32, #tpu.memory_space<hbm>>
        %dma_start3A_881 = tpu.memref_bitcast %arg5 : memref<8192x2048xbf16, #tpu.memory_space<hbm>> -> memref<4096x2048xi32, #tpu.memory_space<hbm>>
        %dma_start3A_882 = arith.constant 0 : i32
        %dma_start3A_883 = tpu.memref_slice %dma_start3A_881[%add3A_875, %dma_start3A_882] : memref<4096x2048xi32, #tpu.memory_space<hbm>> -> memref<1x2048xi32, #tpu.memory_space<hbm>>
        %dma_start3A_884 = tpu.memref_squeeze %dma_start3A_883 : memref<1x2048xi32, #tpu.memory_space<hbm>> -> memref<2048xi32, #tpu.memory_space<hbm>>
        tpu.enqueue_dma source(%arg12 : memref<2048xi32, #tpu.memory_space<vmem>>) target(%dma_start3A_884 : memref<2048xi32, #tpu.memory_space<hbm>>) target_semaphore(%run_scoped3A : memref<!tpu.dma_semaphore, #tpu.memory_space<semaphore_mem>>)
        %dma_wait3A_885 = tpu.memref_bitcast %arg5 : memref<8192x2048xbf16, #tpu.memory_space<hbm>> -> memref<4096x2048xi32, #tpu.memory_space<hbm>>
        %dma_wait3A_886 = arith.constant 0 : i32
        %dma_wait3A_887 = tpu.memref_slice %dma_wait3A_885[%add3A_875, %dma_wait3A_886] : memref<4096x2048xi32, #tpu.memory_space<hbm>> -> memref<1x2048xi32, #tpu.memory_space<hbm>>
        %dma_wait3A_888 = tpu.memref_squeeze %dma_wait3A_887 : memref<1x2048xi32, #tpu.memory_space<hbm>> -> memref<2048xi32, #tpu.memory_space<hbm>>
        %dma_wait3A_889 = tpu.memref_bitcast %arg5 : memref<8192x2048xbf16, #tpu.memory_space<hbm>> -> memref<4096x2048xi32, #tpu.memory_space<hbm>>
        %dma_wait3A_890 = arith.constant 0 : i32
        %dma_wait3A_891 = tpu.memref_slice %dma_wait3A_889[%add3A_875, %dma_wait3A_890] : memref<4096x2048xi32, #tpu.memory_space<hbm>> -> memref<1x2048xi32, #tpu.memory_space<hbm>>
        %dma_wait3A_892 = tpu.memref_squeeze %dma_wait3A_891 : memref<1x2048xi32, #tpu.memory_space<hbm>> -> memref<2048xi32, #tpu.memory_space<hbm>>
        tpu.wait_dma2 semaphore(%run_scoped3A : memref<!tpu.dma_semaphore, #tpu.memory_space<semaphore_mem>>) src(%arg12 : memref<2048xi32, #tpu.memory_space<vmem>>) dst(%dma_wait3A_892 : memref<2048xi32, #tpu.memory_space<hbm>>)
        tpu.yield
      }) : () -> ()
      %scan3A_876 = arith.constant 0 : i32
      scf.yield %scan3A_876 : i32
    }
    %scan3A_62 = arith.constant 64 : i32
    %dma_wait3A = arith.constant 0 : i32
    %dma_wait3A_63 = tpu.memref_slice %arg7[%dma_wait3A] : memref<2048xi32, #tpu.memory_space<vmem>> -> memref<16xi32, #tpu.memory_space<vmem>>
    %dma_wait3A_64 = tpu.memref_bitcast %arg2 : memref<65536x2048xbf16, #tpu.memory_space<hbm>> -> memref<32768x2048xi32, #tpu.memory_space<hbm>>
    %dma_wait3A_65 = arith.constant 0 : i32
    %dma_wait3A_66 = arith.constant 0 : i32
    %dma_wait3A_67 = tpu.memref_slice %dma_wait3A_64[%dma_wait3A_65, %dma_wait3A_66] : memref<32768x2048xi32, #tpu.memory_space<hbm>> -> memref<32768x2048xi32, #tpu.memory_space<hbm>>
    tpu.wait_indirect_dma semaphore(%arg13 : memref<!tpu.dma_semaphore, #tpu.memory_space<semaphore_mem>>) src(%dma_wait3A_67 : memref<32768x2048xi32, #tpu.memory_space<hbm>>) dst(%arg9 : memref<16x2048xi32, #tpu.memory_space<vmem>>)
    return
  }
}

</mosaic_0001>

<sc_bundles>
// kernel: _run.3.cloned.1.call-start
scs
__scs_entry_jumppad:
0x0: {  	(pc) =	sbr.rel $0x88, $3  }
0x1: {  	(tag) =	ssettag $0x0;
	lr =	simm.s32 $0x1  }
0x2: {  	[smem:$0x3F9E] =	sst lr;
	_ =	strace $0xD0000000  }
0x3: {  	_ = 	snop  }
0x4: {  	_ = 	snop  }
0x5: {  	_ = 	snop  }
0x6: {  	_ = 	snop  }
0x7: {  	_ = 	snop  }
__scs_overlays_trampoline_lowered:
0x8: {  	[smem:$0x3FAD] =	sst s0  }
0x9: {  	[smem:$0x3FAE] =	sst s1  }
0xa: {  	[smem:$0x3FAF] =	sst s2  }
0xb: {  	[smem:$0x3FB0] =	sst s3  }
0xc: {  	[smem:$0x3FB1] =	sst s4  }
0xd: {  	[smem:$0x3FB2] =	sst s5  }
0xe: {  	[smem:$0x3FB3] =	sst s6  }
0xf: {  	[smem:$0x3FB4] =	sst s7  }
0x10: {  	[smem:$0x3FB5] =	sst s8  }
0x11: {  	[smem:$0x3FB6] =	sst s9;
	s0 =	simm.s32 @!p0 $0x0  }
0x12: {  	s1 =	sld [smem:$0x3F9C];
	s0 =	simm.s32 @p0 $0x1  }
0x13: {  	[smem:$0x3FB7] =	sst s0;
	s0 =	simm.s32 @!p1 $0x0  }
0x14: {  	s2 =	sld [smem:$0x3F9B];
	s0 =	simm.s32 @p1 $0x1  }
0x15: {  	[smem:$0x3FB8] =	sst s0;
	s0 =	simm.s32 @!p2 $0x0  }
0x16: {  	s3 =	sld [smem:$0x3FDB];
	s0 =	simm.s32 @p2 $0x1  }
0x17: {  	s4 =	simm.s32 $0x1BF5;
	[smem:$0x3FBA] =	sst s0  }
0x18: {  	s0 =	sld [smem:$0x3F9D];
	_ =	swait.ge [sflag:s4], $0x0  }
0x19: {  	s7 =	sld [smem:$0x3F9E]  }
0x1a: {  	s8 =	sadd.s32 $0xFFFFE003, lr  }
0x1b: {  	s9 =	sadd.s32 $0xFFFFFEF7, lr;
	s5 =	simm.s32 $0xFFFFFFFF;
	p2 =	slt.u32 s8, $0xFFFFF086  }
0x1c: {  	p1 =	slt.u32 s9, $0xF7A;
	s5 =	simm.s32 @!p2 $0x0  }
0x1d: {  	s5 =	simm.s32 @p1 $0x1;
	p0 =	seq.s32 s7, s2  }
0x1e: {  	s7 =	smul.u32 @!p0 $0xF7A, s2;
	p2 =	seq.s32 @!p0 s5, $0x0  }
0x1f: {  	s9 =	smul.u32 $0xF7A, s1;
	s8 =	simm.s32 @!p0 $0x1BF5;
	p2 =	por !p2, p0  }
0x20: {  	[sflag:s8] =	ssyncset.s32 @!p0 $0xFFFFF086;
	s6 =	sadd.s32 @!p0 s3, s7;
	s7 =	simm.s32 @!p0 $0x108  }
0x21: {  	s3 =	sadd.s32 s3, s9;
	s6 =	sadd.s32 @!p0 $0x88, s6;
	s7 =	simm.s32 @p2 $0x1082  }
0x22: {  	[simem:s7], [sflag:s8] =	dma.local @!p0 [hbm:s6], $0xF7A  }
0x23: {  	s9 =	sor.u32 $0xD0000000, s2;
	s6 =	simm.s32 $0x108;
	_ =	swait.ge @!p0 [sflag:s8], $0x0  }
0x24: {  	s3 =	sadd.s32 $0x88, s3;
	s6 =	simm.s32 @!p1 $0x1082;
	[sflag:s4] =	ssyncset.s32 $0xFFFFF086  }
0x25: {  	[simem:s6], [sflag:s4] =	dma.local [hbm:s3], $0xF7A  }
0x26: {  	[smem:$0x3F9E] =	sst s1;
	(tag) =	ssettag s2;
	_ =	strace s9  }
0x27: {  	s1 =	sld [smem:$0x3FAE]  }
0x28: {  	s2 =	sld [smem:$0x3FAF]  }
0x29: {  	s4 =	sld [smem:$0x3FB1]  }
0x2a: {  	p0 =	seq.s32 s5, $0x0;
	s5 =	sld [smem:$0x3FB2]  }
0x2b: {  	s6 =	sld [smem:$0x3FB3]  }
0x2c: {  	s7 =	sld [smem:$0x3FB4]  }
0x2d: {  	s3 =	simm.s32 $0x108;
	s8 =	sld [smem:$0x3FB5]  }
0x2e: {  	s3 =	simm.s32 @!p0 $0x1082;
	s9 =	sld [smem:$0x3FB6]  }
0x2f: {  	lr =	sadd.s32 s0, s3;
	s0 =	sld [smem:$0x3FAD]  }
0x30: {  	s3 =	sld [smem:$0x3FB0]  }
0x31: {  	[smem:$0x3FB9] =	sst s10  }
0x32: {  	s10 =	sld [smem:$0x3FB7];
	_ =	sdelay $0x3  }
0x33: {  	p0 =	seq.s32 s10, $0x1;
	s10 =	sld [smem:$0x3FB9];
	_ =	sdelay $0x3  }
0x34: {  	[smem:$0x3FB9] =	sst s10  }
0x35: {  	s10 =	sld [smem:$0x3FB8];
	_ =	sdelay $0x3  }
0x36: {  	p1 =	seq.s32 s10, $0x1;
	s10 =	sld [smem:$0x3FB9];
	_ =	sdelay $0x3  }
0x37: {  	[smem:$0x3FB9] =	sst s10  }
0x38: {  	s10 =	sld [smem:$0x3FBA]  }
0x39: {  	_ = 	snop;
	(pc) =	sbr.ind lr, $3  }
0x3a: {  	_ = 	snop  }
0x3b: {  	_ = 	snop  }
0x3c: {  	p2 =	seq.s32 s10, $0x1;
	s10 =	sld [smem:$0x3FB9]  }
0x3d: {  	_ =	shalt  }
0x3e: {  	_ =	shalt  }
0x3f: {  	_ =	shalt  }
0x40: {  	_ =	shalt  }
0x41: {  	_ =	shalt  }
0x42: {  	_ =	shalt  }
0x43: {  	_ =	shalt  }
0x44: {  	_ =	shalt  }
0x45: {  	_ =	shalt  }
0x46: {  	_ =	shalt  }
0x47: {  	_ =	shalt  }
0x48: {  	_ =	shalt  }
0x49: {  	_ =	shalt  }
0x4a: {  	_ =	shalt  }
0x4b: {  	_ =	shalt  }
0x4c: {  	_ =	shalt  }
0x4d: {  	_ =	shalt  }
0x4e: {  	_ =	shalt  }
0x4f: {  	_ =	shalt  }
0x50: {  	_ =	shalt  }
0x51: {  	_ =	shalt  }
0x52: {  	_ =	shalt  }
0x53: {  	_ =	shalt  }
0x54: {  	_ =	shalt  }
0x55: {  	_ =	shalt  }
0x56: {  	_ =	shalt  }
0x57: {  	_ =	shalt  }
0x58: {  	_ =	shalt  }
0x59: {  	_ =	shalt  }
0x5a: {  	_ =	shalt  }
0x5b: {  	_ =	shalt  }
0x5c: {  	_ =	shalt  }
0x5d: {  	_ =	shalt  }
0x5e: {  	_ =	shalt  }
0x5f: {  	_ =	shalt  }
0x60: {  	_ =	shalt  }
0x61: {  	_ =	shalt  }
0x62: {  	_ =	shalt  }
0x63: {  	_ =	shalt  }
0x64: {  	_ =	shalt  }
0x65: {  	_ =	shalt  }
0x66: {  	_ =	shalt  }
0x67: {  	_ =	shalt  }
0x68: {  	_ =	shalt  }
0x69: {  	_ =	shalt  }
0x6a: {  	_ =	shalt  }
0x6b: {  	_ =	shalt  }
0x6c: {  	_ =	shalt  }
0x6d: {  	_ =	shalt  }
0x6e: {  	_ =	shalt  }
0x6f: {  	_ =	shalt  }
0x70: {  	_ =	shalt  }
0x71: {  	_ =	shalt  }
0x72: {  	_ =	shalt  }
0x73: {  	_ =	shalt  }
0x74: {  	_ =	shalt  }
0x75: {  	_ =	shalt  }
0x76: {  	_ =	shalt  }
0x77: {  	_ =	shalt  }
0x78: {  	_ =	shalt  }
0x79: {  	_ =	shalt  }
0x7a: {  	_ =	shalt  }
0x7b: {  	_ =	shalt  }
0x7c: {  	_ =	shalt  }
0x7d: {  	_ =	shalt  }
0x7e: {  	_ =	shalt  }
0x7f: {  	_ =	shalt  }
0x80: {  	_ =	shalt  }
0x81: {  	_ =	shalt  }
0x82: {  	_ =	shalt  }
0x83: {  	_ =	shalt  }
0x84: {  	_ =	shalt  }
0x85: {  	_ =	shalt  }
0x86: {  	_ =	shalt  }
0x87: {  	_ =	shalt  }
.Lfunc_end0:
.L_simem_size_0:
called_computation_lowered:
.L_overlay_start_0:
0x88: {  	s2 =	sld [smem:$0x3FD9]  }
0x89: {  	s3 =	sld [smem:$0x3FFE];
	_ =	sdelay $0x1  }
0x8a: {  	s1 =	srdreg.scid  }
0x8b: {  	s0 =	sand.u32 $0x1, s1  }
0x8c: {  	s17 =	sshll.u32 s0, $0xA;
	s2 =	sadd.s32 s3, s2  }
0x8d: {  	s2 =	sadd.s32 s2, s17  }
0x8e: {  	[smem:$0x3FC5] =	sst s2  }
0x8f: {  	_ = 	snop  }
0x90: {  	s2 =	sld [smem:$0x3FC9]  }
0x91: {  	s18 =	sld [smem:$0x3FC7]  }
0x92: {  	s4 =	sld [smem:$0x3FD0];
	(tm) =	ssettm $0x1  }
0x93: {  	s5 =	sld [smem:$0x3FFB];
	_ =	sdelay $0x3  }
0x94: {  	_ =	strace s5  }
0x95: {  	s5 =	sld [smem:$0x3FFC];
	_ =	sdelay $0x3  }
0x96: {  	_ =	strace s5  }
0x97: {  	s5 =	sld [smem:$0x3FFD];
	_ =	sdelay $0x3  }
0x98: {  	_ =	strace s5  }
0x99: {  	_ =	strace $0x8FFFFFFF  }
0x9a: {  	s19 =	sld [smem:$0x3FDB];
	_ =	sdelay $0x1  }
0x9b: {  	s6 =	simm.s32 $_scs_section_size  }
0x9c: {  	s7 =	simm.s32 $_size__tile_overlayer_lowered;
	s8 =	simm.s32 $_tile_overlayer_lowered  }
0x9d: {  	s22 =	simm.s32 $0x1BFF;
	s21 =	sshll.u32 s8, $0x1;
	s5 =	sadd.s32 s6, s19  }
0x9e: {  	s9 =	simm.s32 $0x0;
	s20 =	sshll.u32 s7, $0x1;
	s7 =	sadd.s32 s21, s5  }
0x9f: {  	[timem:s9], [sflag:s22] =	dma.local [hbm:s7], s20  }
0xa0: {  	_ =	swait.ge [sflag:s22], s20  }
0xa1: {  	s6 =	ssub.s32 $0x0, s20;
	[sflag:s22] =	ssyncset.done $0x0  }
0xa2: {  	[sflag:s22] =	ssyncadd.s32 s6;
	_ =	sdelay $0x1  }
0xa3: {  	s23 =	simm.s32 $0x1B8B  }
0xa4: {  	_ =	swait.ge [sflag:s23], $0x1  }
0xa5: {  	[sflag:s23] =	ssyncset.done $0x0  }
0xa6: {  	s25 =	simm.s32 $0x1B8E;
	s24 =	sld [smem:$0x3FFE];
	[sflag:s23] =	ssyncadd.s32 $0xFFFFFFFF  }
0xa7: {  	s26 =	simm.s32 $execute0_lowered;
	[smem:$0x3FD2] =	sst s25  }
0xa8: {  	s7 =	sshll.u32 s26, $0x1;
	_ =	strace $0x80000046;
	[dreg:$0x1] =	wrdreg $0xFFFFFFFF  }
0xa9: {  	s28 =	simm.s32 $_size_execute0_lowered;
	s5 =	sadd.s32 s5, s7;
	[dreg:$0x0] =	wrdreg $0x0  }
0xaa: {  	s7 =	sshll.u32 s28, $0x1;
	[dreg:$0x2] =	wrdreg s5  }
0xab: {  	[dreg:$0x3] =	wrdreg s7  }
0xac: {  	[dreg:$0x4] =	wrdreg $0xC0  }
0xad: {  	_ =	task [dreg:s9], $0x5FFFF  }
0xae: {  	[dreg:$0x1] =	wrdreg $0xFFFFFFFF  }
0xaf: {  	[dreg:$0x0] =	wrdreg $0x60  }
0xb0: {  	[dreg:$0x2] =	wrdreg s2  }
0xb1: {  	[dreg:$0x3] =	wrdreg s24  }
0xb2: {  	[dreg:$0x4] =	wrdreg s18  }
0xb3: {  	[dreg:$0x5] =	wrdreg s4  }
0xb4: {  	[dreg:$0x6] =	wrdreg $0x9  }
0xb5: {  	_ =	task.clear_ibuf [dreg:s9], $0x7FFFF;
	_ =	strace $0x90000046  }
0xb6: {  	s29 =	simm.s32 $0x9;
	_ =	strace $0x80000048  }
0xb7: {  	_ =	swait.ge [sflag:s29], $0x1  }
0xb8: {  	[sflag:s29] =	ssyncadd.s32 $0xFFFFFFFF  }
0xb9: {  	_ =	strace $0x90000048  }
0xba: {  	_ =	sfence  }
0xbb: {  	s30 =	sld [smem:$0x0];
	_ =	sdelay $0x2  }
0xbc: {  	s31 =	sshll.u32 s1, $0xD;
	s1 =	sshrl.u32 s1, $0x2  }
0xbd: {  	s3 =	sand.u32 $0x4000, s31;
	s1 =	sadd.s32 s1, s30  }
0xbe: {  	s0 =	sor.u32 s3, s0;
	s1 =	sshll.u32 s1, $0x11  }
0xbf: {  	s0 =	sor.u32 s1, s0  }
0xc0: {  	s0 =	sadd.s32 $0x8F2B, s0  }
0xc1: {  	[sflag:s0] =	ssyncadd.remote.s32 $0x1  }
0xc2: {  	_ =	sfence.sel $0xFFFF  }
0xc3: {  	[dreg:$0x0] =	wrdreg $0xFFFFFFFF;
	(pc) =	sbr.abs _section_cstart, $3  }
0xc4: {  	[dreg:$0x1] =	wrdreg $0xFFFFFFFF  }
0xc5: {  	_ =	task.clear_ibuf [dreg:s9], $0x2FFFF;
	_ =	strace $0x9FFFFFFF  }
0xc6: {  	(tm) =	ssettm $0x7FFFFFFF  }
0xc7: {  	_ =	shalt  }
tec
execute0_lowered:
.L_overlay_start_1:
0x0: {  	(tag) =	ssettag $0x1  }
0x1: {  	s7 =	rddreg [dreg:$0x0]  }
0x2: {  	s0 =	rddreg [dreg:$0x1]  }
0x3: {  	s1 =	rddreg [dreg:$0x2]  }
0x4: {  	s4 =	simm.s32 $0x0;
	s2 =	srdreg.scid;
	s3 =	stileid.u32  }
0x5: {  	s17 =	simm.s32 $0x1000;
	s19 =	simm.s32 $0x0;
	[smem:$0x7FF] =	sst s4  }
0x6: {  	s2 =	sand.u32 $0x1, s2;
	s3 =	sshll.u32 s3, $0x1;
	s29 =	sadd.s32 $0x80, s7  }
0x7: {  	s8 =	sadd.s32 $0x100, s7;
	s9 =	sadd.s32 $0x180, s7;
	s10 =	sadd.s32 $0x200, s7  }
0x8: {  	s11 =	sadd.s32 $0x280, s7;
	_ =	strace $0x80000047;
	s3 =	sor.u32 s2, s3  }
0x9: {  	s2 =	ssub.s32 $0x2, s2;
	[dreg:$0x7] =	wrdreg s29;
	s28 =	sshll.u32 s3, $0xB  }
0xa: {  	s5 =	sshrl.u32 s2, $0x1;
	s6 =	sshll.u32 s3, $0x8;
	s30 =	sshll.u32 s3, $0xF  }
0xb: {  	s0 =	sadd.s32 s28, s0;
	s1 =	sadd.s32 s1, s6;
	[dreg:$0x8] =	wrdreg s30  }
0xc: {  	v2 =	vlaneseq.u32;
	s2 =	ssub.s32 s2, s5;
	[dreg:$0x5] =	wrdreg s1;
	s0 =	sadd.s32 $0x400, s0  }
0xd: {  	vm0 =	vmmov $0xffff;
	s12 =	sadd.s32 $0x300, s7;
	v1 =	vshrl.u32 v2, $0x3;
	s31 =	smax.u32 s2, $0x1;
	[dreg:$0x6] =	wrdreg s0  }
0xe: {  	s13 =	sadd.s32 $0x380, s7;
	v0 =	vand.u32 $0x7, v2;
	v2 =	vor.u32 $0x8, v2;
	v1 =	vmul.u32 $0x4, v1;
	s2 =	simm.s32 $0x0;
	[dreg:$0x9] =	wrdreg s31  }
.LBB2_1:
0xf: {  	[dreg:$0xa] =	wrdreg s2  }
0x10: {  	s0 =	simm.s32 $0x0;
	s1 =	rddreg [dreg:$0x5];
	s30 =	simm.s32 $0x3  }
0x11: {  	[tilespmem:s0], [sflag:$0x3] =	stream.linear.gather [hbm4b:s1+s0], $0x800, $0x38;
	[tilespmem:$0x16000] =	vst v63  }
0x12: {  	_ =	swait.ge [sflag:s30], $0x800  }
0x13: {  	[sflag:s30] =	ssyncset.done $0x0  }
0x14: {  	s31 =	rddreg [dreg:$0x6];
	[sflag:s30] =	ssyncadd.s32 $0xFFFFF800  }
0x15: {  	[tilespmem:s17], [sflag:$0x3] =	stream.linear.gather [hbm4b:s31+s0], $0x4000, $0x38;
	[tilespmem:$0x16000] =	vst v63  }
0x16: {  	_ =	swait.ge [sflag:s30], $0x4000  }
0x17: {  	[sflag:s30] =	ssyncset.done $0x0  }
0x18: {  	s0 =	simm.s32 $0x0;
	[sflag:s30] =	ssyncadd.s32 $0xFFFFC000  }
0x19: {  	s1 =	simm.s32 $0x40;
	v3 =	vld [tilespmem:s0+$0x0]  }
.LBB2_2:
0x1a: {  	p0 =	sne.s32 s1, $0x1FC0  }
.Ltmp0:
0x1b: {  	_ = 	snop;
	(pc) =	sbr.rel @p0 .LBB2_2-.Ltmp0, $3  }
0x1c: {  	_ =	sdelay $0x1  }
0x1d: {  	s2 =	sshra.s32 s1, $0x2;
	s1 =	sadd.s32 $0x40, s1;
	v4 =	vshrl.u32 v3, $0x1  }
0x1e: {  	v3 =	vld [tilespmem:s2+$0x0];
	[tilespmem:s0+$0x800] =	vst v4;
	s0 =	smov.u32 s2  }
0x1f: {  	_ =	sdelay $0x3  }
0x20: {  	v3 =	vshrl.u32 v3, $0x1  }
0x21: {  	[tilespmem:s0+$0x800] =	vst v3  }
0x22: {  	v3 =	vld [tilespmem:$0x800];
	_ =	sdelay $0x4  }
0x23: {  	v4 =	vshll.u32 v3, $0x4  }
0x24: {  	v3 =	vand.u32 $0x3, v3;
	v4 =	vand.u32 $0xFFFFFFC0, v4  }
0x25: {  	v3 =	vor.u32 v3, v4  }
0x26: {  	v4 =	vperm.xlane v3, v0;
	_ =	sdelay $0x1  }
0x27: {  	v4 =	vadd.s32 v1, v4;
	_ =	sdelay $0x3  }
0x28: {  	s7 =	rddreg [dreg:$0x0];
	s1 =	simm.s32 $0x5000  }
0x29: {  	[tilespmem:s1], [sflag:$0x1] =	stream.indirect_vreg.gather [hbm4b:s7+s19], $0x80, v4, vm0, $0xb8;
	[tilespmem:$0x16000] =	vst v63  }
0x2a: {  	s14 =	rddreg [dreg:$0x7];
	s2 =	simm.s32 $0x5800  }
0x2b: {  	[tilespmem:s2], [sflag:$0x1] =	stream.indirect_vreg.gather [hbm4b:s14+s19], $0x80, v4, vm0, $0xb8;
	[tilespmem:$0x16000] =	vst v63  }
0x2c: {  	s15 =	simm.s32 $0x6000  }
0x2d: {  	[tilespmem:s15], [sflag:$0x1] =	stream.indirect_vreg.gather [hbm4b:s8+s19], $0x80, v4, vm0, $0xb8;
	[tilespmem:$0x16000] =	vst v63  }
0x2e: {  	s16 =	simm.s32 $0x6800  }
0x2f: {  	[tilespmem:s16], [sflag:$0x1] =	stream.indirect_vreg.gather [hbm4b:s9+s19], $0x80, v4, vm0, $0xb8;
	[tilespmem:$0x16000] =	vst v63  }
0x30: {  	s18 =	simm.s32 $0x7000  }
0x31: {  	[tilespmem:s18], [sflag:$0x1] =	stream.indirect_vreg.gather [hbm4b:s10+s19], $0x80, v4, vm0, $0xb8;
	[tilespmem:$0x16000] =	vst v63  }
0x32: {  	s20 =	simm.s32 $0x7800;
	v3 =	vperm.xlane v3, v2  }
0x33: {  	[tilespmem:s20], [sflag:$0x1] =	stream.indirect_vreg.gather [hbm4b:s11+s19], $0x80, v4, vm0, $0xb8;
	[tilespmem:$0x16000] =	vst v63  }
0x34: {  	s21 =	simm.s32 $0x8000;
	v3 =	vadd.s32 v1, v3  }
0x35: {  	[tilespmem:s21], [sflag:$0x1] =	stream.indirect_vreg.gather [hbm4b:s12+s19], $0x80, v4, vm0, $0xb8;
	[tilespmem:$0x16000] =	vst v63  }
0x36: {  	s22 =	simm.s32 $0x8800  }
0x37: {  	[tilespmem:s22], [sflag:$0x1] =	stream.indirect_vreg.gather [hbm4b:s13+s19], $0x80, v4, vm0, $0xb8;
	[tilespmem:$0x16000] =	vst v63  }
0x38: {  	s23 =	simm.s32 $0x9000  }
0x39: {  	[tilespmem:s23], [sflag:$0x1] =	stream.indirect_vreg.gather [hbm4b:s7+s19], $0x80, v3, vm0, $0xb8;
	[tilespmem:$0x16000] =	vst v63  }
0x3a: {  	s24 =	simm.s32 $0x9800  }
0x3b: {  	[tilespmem:s24], [sflag:$0x1] =	stream.indirect_vreg.gather [hbm4b:s14+s19], $0x80, v3, vm0, $0xb8;
	[tilespmem:$0x16000] =	vst v63  }
0x3c: {  	s25 =	simm.s32 $0xA000  }
0x3d: {  	[tilespmem:s25], [sflag:$0x1] =	stream.indirect_vreg.gather [hbm4b:s8+s19], $0x80, v3, vm0, $0xb8;
	[tilespmem:$0x16000] =	vst v63  }
0x3e: {  	s26 =	simm.s32 $0xA800  }
0x3f: {  	[tilespmem:s26], [sflag:$0x1] =	stream.indirect_vreg.gather [hbm4b:s9+s19], $0x80, v3, vm0, $0xb8;
	[tilespmem:$0x16000] =	vst v63  }
0x40: {  	s28 =	simm.s32 $0xB000  }
0x41: {  	[tilespmem:s28], [sflag:$0x1] =	stream.indirect_vreg.gather [hbm4b:s10+s19], $0x80, v3, vm0, $0xb8;
	[tilespmem:$0x16000] =	vst v63  }
0x42: {  	s29 =	simm.s32 $0xB800  }
0x43: {  	[tilespmem:s29], [sflag:$0x1] =	stream.indirect_vreg.gather [hbm4b:s11+s19], $0x80, v3, vm0, $0xb8;
	[tilespmem:$0x16000] =	vst v63  }
0x44: {  	s30 =	simm.s32 $0xC000  }
0x45: {  	[tilespmem:s30], [sflag:$0x1] =	stream.indirect_vreg.gather [hbm4b:s12+s19], $0x80, v3, vm0, $0xb8;
	[tilespmem:$0x16000] =	vst v63  }
0x46: {  	s31 =	simm.s32 $0xC800;
	s20 =	simm.s32 $0x0  }
0x47: {  	[tilespmem:s31], [sflag:$0x1] =	stream.indirect_vreg.gather [hbm4b:s13+s19], $0x80, v3, vm0, $0xb8;
	[tilespmem:$0x16000] =	vst v63  }
.LBB2_4:
0x48: {  	s22 =	sshllo.u32 s20, $0x1  }
0x49: {  	s21 =	sshll.u32 s22, $0x4  }
0x4a: {  	v3 =	vld [tilespmem:s21+$0x800];
	_ =	sdelay $0x4  }
0x4b: {  	v4 =	vshll.u32 v3, $0x4  }
0x4c: {  	v3 =	vand.u32 $0x3, v3;
	v4 =	vand.u32 $0xFFFFFFC0, v4  }
0x4d: {  	v3 =	vor.u32 v3, v4  }
0x4e: {  	v4 =	vperm.xlane v3, v0;
	_ =	sdelay $0x1  }
0x4f: {  	v4 =	vadd.s32 v1, v4;
	_ =	sdelay $0x3  }
0x50: {  	s0 =	rddreg [dreg:$0x0];
	s1 =	simm.s32 $0xD000  }
0x51: {  	[tilespmem:s1], [sflag:$0x2] =	stream.indirect_vreg.gather [hbm4b:s0+s19], $0x80, v4, vm0, $0xb8;
	[tilespmem:$0x16000] =	vst v63  }
0x52: {  	s4 =	rddreg [dreg:$0x7];
	s2 =	simm.s32 $0xD800  }
0x53: {  	[tilespmem:s2], [sflag:$0x2] =	stream.indirect_vreg.gather [hbm4b:s4+s19], $0x80, v4, vm0, $0xb8;
	[tilespmem:$0x16000] =	vst v63  }
0x54: {  	s5 =	simm.s32 $0xE000  }
0x55: {  	[tilespmem:s5], [sflag:$0x2] =	stream.indirect_vreg.gather [hbm4b:s8+s19], $0x80, v4, vm0, $0xb8;
	[tilespmem:$0x16000] =	vst v63  }
0x56: {  	s6 =	simm.s32 $0xE800  }
0x57: {  	[tilespmem:s6], [sflag:$0x2] =	stream.indirect_vreg.gather [hbm4b:s9+s19], $0x80, v4, vm0, $0xb8;
	[tilespmem:$0x16000] =	vst v63  }
0x58: {  	s7 =	simm.s32 $0xF000  }
0x59: {  	[tilespmem:s7], [sflag:$0x2] =	stream.indirect_vreg.gather [hbm4b:s10+s19], $0x80, v4, vm0, $0xb8;
	[tilespmem:$0x16000] =	vst v63  }
0x5a: {  	s14 =	simm.s32 $0xF800;
	v3 =	vperm.xlane v3, v2  }
0x5b: {  	[tilespmem:s14], [sflag:$0x2] =	stream.indirect_vreg.gather [hbm4b:s11+s19], $0x80, v4, vm0, $0xb8;
	[tilespmem:$0x16000] =	vst v63  }
0x5c: {  	s15 =	simm.s32 $0x10000;
	v3 =	vadd.s32 v1, v3  }
0x5d: {  	[tilespmem:s15], [sflag:$0x2] =	stream.indirect_vreg.gather [hbm4b:s12+s19], $0x80, v4, vm0, $0xb8;
	[tilespmem:$0x16000] =	vst v63  }
0x5e: {  	s16 =	simm.s32 $0x10800  }
0x5f: {  	[tilespmem:s16], [sflag:$0x2] =	stream.indirect_vreg.gather [hbm4b:s13+s19], $0x80, v4, vm0, $0xb8;
	[tilespmem:$0x16000] =	vst v63  }
0x60: {  	s18 =	simm.s32 $0x11000  }
0x61: {  	[tilespmem:s18], [sflag:$0x2] =	stream.indirect_vreg.gather [hbm4b:s0+s19], $0x80, v3, vm0, $0xb8;
	[tilespmem:$0x16000] =	vst v63  }
0x62: {  	s23 =	simm.s32 $0x11800  }
0x63: {  	[tilespmem:s23], [sflag:$0x2] =	stream.indirect_vreg.gather [hbm4b:s4+s19], $0x80, v3, vm0, $0xb8;
	[tilespmem:$0x16000] =	vst v63  }
0x64: {  	s24 =	simm.s32 $0x12000  }
0x65: {  	[tilespmem:s24], [sflag:$0x2] =	stream.indirect_vreg.gather [hbm4b:s8+s19], $0x80, v3, vm0, $0xb8;
	[tilespmem:$0x16000] =	vst v63  }
0x66: {  	s25 =	simm.s32 $0x12800  }
0x67: {  	[tilespmem:s25], [sflag:$0x2] =	stream.indirect_vreg.gather [hbm4b:s9+s19], $0x80, v3, vm0, $0xb8;
	[tilespmem:$0x16000] =	vst v63  }
0x68: {  	s26 =	simm.s32 $0x13000  }
0x69: {  	[tilespmem:s26], [sflag:$0x2] =	stream.indirect_vreg.gather [hbm4b:s10+s19], $0x80, v3, vm0, $0xb8;
	[tilespmem:$0x16000] =	vst v63  }
0x6a: {  	s1 =	simm.s32 $0x13800  }
0x6b: {  	[tilespmem:s1], [sflag:$0x2] =	stream.indirect_vreg.gather [hbm4b:s11+s19], $0x80, v3, vm0, $0xb8;
	[tilespmem:$0x16000] =	vst v63  }
0x6c: {  	s2 =	simm.s32 $0x14000;
	s4 =	sshll.u32 s20, $0x8;
	s24 =	sshll.u32 s20, $0x5  }
0x6d: {  	[tilespmem:s2], [sflag:$0x2] =	stream.indirect_vreg.gather [hbm4b:s12+s19], $0x80, v3, vm0, $0xb8;
	[tilespmem:$0x16000] =	vst v63  }
0x6e: {  	s3 =	simm.s32 $0x14800;
	s6 =	simm.s32 $0x1;
	v5 =	vmov s4;
	s7 =	sor.u32 $0x2, s24  }
0x6f: {  	v6 =	vor.u32 $0x1, v5;
	v4 =	vmov s24;
	[tilespmem:s3], [sflag:$0x2] =	stream.indirect_vreg.gather [hbm4b:s13+s19], $0x80, v3, vm0, $0xb8;
	[tilespmem:$0x16000] =	vst v63  }
0x70: {  	v8 =	vor.u32 $0x2, v5;
	s5 =	sor.u32 $0x1, s24;
	v7 =	vmov s7;
	v3 =	vbroadcast v4, $0x0;
	_ =	swait.ge [sflag:s6], $0x8000  }
0x71: {  	v7 =	vbroadcast v7, $0x0;
	v4 =	vmov s5;
	[sflag:s6] =	ssyncset.done $0x0  }
0x72: {  	v4 =	vbroadcast v4, $0x0;
	[sflag:s6] =	ssyncadd.s32 $0xFFFF8000  }
0x73: {  	v10 =	vld.idx.msk [tilespmem:v5+s17+$0x0], $0xffff  }
0x74: {  	v9 =	vor.u32 $0x3, v5;
	v11 =	vld.idx.msk [tilespmem:v6+s17+$0x0], $0xffff  }
0x75: {  	v13 =	vld.idx.msk [tilespmem:v8+s17+$0x0], $0xffff  }
0x76: {  	v3 =	vld.idx.msk [tilespmem:v3+s19+$0x0], $0xffff  }
0x77: {  	v14 =	vor.u32 $0x4, v5;
	s23 =	sor.u32 $0x7, s24;
	v7 =	vld.idx.msk [tilespmem:v7+s19+$0x0], $0xffff  }
0x78: {  	v16 =	vor.u32 $0x5, v5;
	v20 =	vor.u32 $0x7, v5;
	s14 =	sor.u32 $0x3, s24;
	s18 =	sor.u32 $0x6, s24;
	v19 =	vmov s23;
	v4 =	vld.idx.msk [tilespmem:v4+s19+$0x0], $0xffff  }
0x79: {  	v19 =	vbroadcast v19, $0x0;
	v6 =	vmov s14;
	v18 =	vld.idx.msk [tilespmem:v9+s17+$0x0], $0xffff;
	v9 =	vmov s18  }
0x7a: {  	v6 =	vbroadcast v6, $0x0;
	v9 =	vbroadcast v9, $0x0;
	v12 =	vand.u32 $0xFFFF, v10  }
0x7b: {  	s15 =	sor.u32 $0x4, s24;
	v8 =	vshll.u32 v10, $0x10;
	v17 =	vand.u32 $0xFFFF, v13;
	v3 =	vand.u32 $0x1, v3  }
0x7c: {  	v7 =	vand.u32 $0x1, v7;
	vm1 =	veq.s32 v3, $0x0;
	v3 =	vmov s15  }
0x7d: {  	s16 =	sor.u32 $0x5, s24;
	v21 =	vld.idx.msk [tilespmem:v16+s17+$0x0], $0xffff;
	v16 =	vshll.u32 v13, $0x10;
	v4 =	vand.u32 $0x1, v4;
	v15 =	vbroadcast v3, $0x0  }
0x7e: {  	v3 =	vsel vm1, v12, v8;
	v8 =	vand.u32 $0xFFFF, v11;
	v12 =	vmov s16  }
0x7f: {  	s25 =	sor.u32 $0x8, s24;
	v14 =	vld.idx.msk [tilespmem:v14+s17+$0x0], $0xffff;
	vm1 =	veq.s32 v4, $0x0;
	v4 =	vshll.u32 v11, $0x10;
	v12 =	vbroadcast v12, $0x0  }
0x80: {  	s26 =	sor.u32 $0x9, s24;
	v6 =	vld.idx.msk [tilespmem:v6+s19+$0x0], $0xffff;
	v4 =	vsel vm1, v8, v4;
	v8 =	vor.u32 $0x6, v5;
	v5 =	vmov s25  }
0x81: {  	s2 =	sor.u32 $0xB, s24;
	v9 =	vld.idx.msk [tilespmem:v9+s19+$0x0], $0xffff;
	vm1 =	veq.s32 v7, $0x0;
	v7 =	vbroadcast v5, $0x0;
	v5 =	vmov s26  }
0x82: {  	s3 =	sor.u32 $0xC, s24;
	v19 =	vld.idx.msk [tilespmem:v19+s19+$0x0], $0xffff;
	v22 =	vbroadcast v5, $0x0;
	v5 =	vsel vm1, v17, v16;
	v17 =	vmov s2  }
0x83: {  	s1 =	sor.u32 $0xA, s24;
	v25 =	vmov s3;
	s3 =	sand.u32 $0x3C00, s19;
	s26 =	sand.u32 $0x60, s19;
	v24 =	vbroadcast v17, $0x0;
	v17 =	vld.idx.msk [tilespmem:v20+s17+$0x0], $0xffff  }
0x84: {  	s4 =	sor.u32 $0xD, s24;
	v23 =	vmov s1;
	s0 =	sadd.s32 $0x5000, s3;
	v26 =	vshll.u32 v18, $0x10;
	s23 =	sor.u32 $0x10, s26;
	v20 =	vbroadcast v25, $0x0;
	v15 =	vld.idx.msk [tilespmem:v15+s19+$0x0], $0xffff  }
0x85: {  	v31 =	vshrl.u32 v14, $0x10;
	v25 =	vmov s4;
	s14 =	sor.u32 s23, s0;
	v16 =	vld.idx.msk [tilespmem:v8+s17+$0x0], $0xffff;
	v8 =	vbroadcast v23, $0x0  }
0x86: {  	s5 =	sor.u32 $0xE, s24;
	v6 =	vand.u32 $0x1, v6;
	v9 =	vand.u32 $0x1, v9;
	v25 =	vbroadcast v25, $0x0;
	v33 =	vld [tilespmem:s14+$0x280]  }
0x87: {  	s6 =	sor.u32 $0xF, s24;
	vm1 =	veq.s32 v6, $0x0;
	v6 =	vmov s5;
	vm2 =	veq.s32 v9, $0x0;
	v12 =	vld.idx.msk [tilespmem:v12+s19+$0x0], $0xffff  }
0x88: {  	v28 =	vbroadcast v6, $0x0;
	v23 =	vand.u32 $0xFFFF, v18;
	v27 =	vld.idx.msk [tilespmem:v7+s19+$0x0], $0xffff;
	v7 =	vmov s6  }
0x89: {  	v6 =	vsel vm1, v23, v26;
	v22 =	vld.idx.msk [tilespmem:v22+s19+$0x0], $0xffff;
	v23 =	vbroadcast v7, $0x0;
	v7 =	vand.u32 $0xFFFF, v14  }
0x8a: {  	v30 =	vshll.u32 v17, $0x10;
	v20 =	vld.idx.msk [tilespmem:v20+s19+$0x0], $0xffff;
	v15 =	vand.u32 $0x1, v15;
	v29 =	vshll.u32 v16, $0x10  }
0x8b: {  	vm1 =	veq.s32 v15, $0x0;
	v15 =	vshll.u32 v14, $0x10;
	v26 =	vld.idx.msk [tilespmem:v8+s19+$0x0], $0xffff;
	v8 =	vand.u32 $0xFFFF, v21  }
0x8c: {  	v25 =	vld.idx.msk [tilespmem:v25+s19+$0x0], $0xffff;
	v12 =	vand.u32 $0x1, v12;
	v14 =	vand.u32 $0xFFFF0000, v14;
	v7 =	vsel vm1, v7, v15  }
0x8d: {  	v15 =	vld.idx.msk [tilespmem:v24+s19+$0x0], $0xffff;
	vm1 =	veq.s32 v12, $0x0;
	v12 =	vshll.u32 v21, $0x10;
	v24 =	vand.u32 $0xFFFF, v16  }
0x8e: {  	v28 =	vld.idx.msk [tilespmem:v28+s19+$0x0], $0xffff;
	v27 =	vand.u32 $0x1, v27;
	v9 =	vsel vm1, v8, v12;
	v8 =	vsel vm2, v24, v29  }
0x8f: {  	s1 =	sadd.s32 $0x9000, s3;
	v24 =	vand.u32 $0xFFFF, v17;
	v12 =	vand.u32 $0x1, v19;
	vm1 =	veq.s32 v27, $0x0;
	v27 =	vld [tilespmem:s14+$0x0]  }
0x90: {  	s4 =	sor.u32 s23, s1;
	v19 =	vshrl.u32 v10, $0x10;
	v10 =	vand.u32 $0xFFFF0000, v10;
	v22 =	vand.u32 $0x1, v22;
	v23 =	vld.idx.msk [tilespmem:v23+s19+$0x0], $0xffff  }
0x91: {  	s2 =	sadd.s32 $0x9080, s3;
	v29 =	vshrl.u32 v11, $0x10;
	v11 =	vand.u32 $0xFFFF0000, v11;
	vm2 =	veq.s32 v22, $0x0;
	v22 =	vld [tilespmem:s4+$0x0]  }
0x92: {  	s5 =	sor.u32 s23, s2;
	v10 =	vsel vm1, v19, v10;
	v11 =	vsel vm2, v29, v11;
	v19 =	vand.u32 $0x1, v26;
	v26 =	vld [tilespmem:s14+$0x80]  }
0x93: {  	s4 =	sadd.s32 $0x9100, s3;
	v29 =	vshrl.u32 v13, $0x10;
	v13 =	vand.u32 $0xFFFF0000, v13;
	vm2 =	veq.s32 v19, $0x0;
	v19 =	vld [tilespmem:s5+$0x0]  }
0x94: {  	vm1 =	veq.s32 v12, $0x0;
	s6 =	sor.u32 s23, s4;
	s5 =	sadd.s32 $0x9180, s3;
	v12 =	vsel vm2, v29, v13;
	v13 =	vand.u32 $0x1, v15;
	v29 =	vld [tilespmem:s14+$0x100]  }
0x95: {  	v15 =	vshrl.u32 v18, $0x10;
	s15 =	sor.u32 s23, s5;
	vm2 =	veq.s32 v13, $0x0;
	v13 =	vand.u32 $0xFFFF0000, v18;
	v18 =	vld [tilespmem:s6+$0x0]  }
0x96: {  	v25 =	vand.u32 $0x1, v25;
	v32 =	vld [tilespmem:s15+$0x0];
	v13 =	vsel vm2, v15, v13;
	v15 =	vand.u32 $0x1, v20  }
0x97: {  	v28 =	vand.u32 $0x1, v28;
	s6 =	sadd.s32 $0x9200, s3;
	v22 =	vmul.bf16 v10, v22;
	v20 =	vld [tilespmem:s14+$0x180];
	vm2 =	veq.s32 v15, $0x0  }
0x98: {  	s16 =	sor.u32 s23, s6;
	v15 =	vshrl.u32 v21, $0x10;
	v26 =	vmul.bf16 v4, v26;
	v14 =	vsel vm2, v31, v14;
	v31 =	vld [tilespmem:s14+$0x200]  }
0x99: {  	s15 =	sadd.s32 $0x9280, s3;
	v21 =	vand.u32 $0xFFFF0000, v21;
	vm2 =	veq.s32 v25, $0x0;
	v25 =	vmul.bf16 v3, v27;
	v27 =	vld [tilespmem:s16+$0x0]  }
0x9a: {  	s18 =	sor.u32 s23, s15;
	v19 =	vmul.bf16 v11, v19;
	v15 =	vsel vm2, v15, v21;
	vm2 =	veq.s32 v28, $0x0;
	v28 =	vld [tilespmem:s14+$0x380]  }
0x9b: {  	v23 =	vand.u32 $0x1, v23;
	v21 =	vadd.bf16 v26, v25;
	v25 =	vmul.bf16 v5, v29;
	v26 =	vld [tilespmem:s18+$0x0]  }
0x9c: {  	s16 =	sadd.s32 $0x9300, s3;
	v29 =	vshrl.u32 v16, $0x10;
	v19 =	vadd.bf16 v19, v22;
	v22 =	vld [tilespmem:s14+$0x300];
	v16 =	vand.u32 $0xFFFF0000, v16;
	s14 =	sor.u32 s26, s0  }
0x9d: {  	s7 =	sor.u32 s23, s16;
	v18 =	vmul.bf16 v12, v18;
	v20 =	vmul.bf16 v6, v20;
	v16 =	vsel vm2, v29, v16;
	v40 =	vld [tilespmem:s14+$0x280]  }
0x9e: {  	v29 =	vshrl.u32 v17, $0x10;
	vm2 =	veq.s32 v23, $0x0;
	v21 =	vadd.bf16 v25, v21;
	v25 =	vld [tilespmem:s7+$0x0];
	s7 =	sor.u32 s26, s1  }
0x9f: {  	s3 =	sadd.s32 $0x9380, s3;
	v17 =	vand.u32 $0xFFFF0000, v17;
	v18 =	vadd.bf16 v18, v19;
	v19 =	vmul.bf16 v13, v32;
	s1 =	sor.u32 s26, s5;
	v38 =	vld [tilespmem:s7+$0x0]  }
0xa0: {  	s25 =	sor.u32 s23, s3;
	v17 =	vsel vm2, v29, v17;
	v29 =	vld [tilespmem:s1+$0x0];
	v20 =	vadd.bf16 v20, v21;
	v21 =	vmul.bf16 v7, v31  }
0xa1: {  	v31 =	vld [tilespmem:s25+$0x0];
	v18 =	vadd.bf16 v19, v18;
	v19 =	vmul.bf16 v14, v27  }
0xa2: {  	v27 =	vld [tilespmem:s14+$0x0];
	v20 =	vadd.bf16 v21, v20;
	v21 =	vmul.bf16 v9, v33  }
0xa3: {  	s5 =	sor.u32 s26, s16;
	v18 =	vadd.bf16 v19, v18;
	v19 =	vmul.bf16 v15, v26;
	v26 =	vld [tilespmem:s14+$0x80]  }
0xa4: {  	s18 =	sor.u32 s26, s2;
	v41 =	vld [tilespmem:s5+$0x0];
	v20 =	vadd.bf16 v21, v20;
	v21 =	vmul.bf16 v8, v22  }
0xa5: {  	v23 =	vmul.bf16 v16, v25;
	v22 =	vld [tilespmem:s18+$0x0];
	v19 =	vadd.bf16 v19, v18;
	v18 =	vsel vm1, v24, v30  }
0xa6: {  	s2 =	sor.u32 s26, s6;
	v25 =	vld [tilespmem:s14+$0x100];
	v24 =	vmul.bf16 v18, v28;
	v20 =	vadd.bf16 v21, v20  }
0xa7: {  	s25 =	sor.u32 s26, s4;
	v30 =	vld [tilespmem:s2+$0x0];
	v19 =	vadd.bf16 v23, v19;
	v23 =	vmul.bf16 v17, v31  }
0xa8: {  	s28 =	simm.s32 $0x20;
	s6 =	simm.s32 $0x100;
	v27 =	vmul.bf16 v3, v27;
	v21 =	vld [tilespmem:s25+$0x0];
	v26 =	vmul.bf16 v4, v26;
	v20 =	vadd.bf16 v24, v20  }
0xa9: {  	s2 =	sand.u32 $0x3C00, s6;
	v28 =	vld [tilespmem:s14+$0x180];
	s25 =	sand.u32 $0x60, s28;
	v19 =	vadd.bf16 v23, v19;
	v24 =	vmul.bf16 v10, v38  }
0xaa: {  	s1 =	sadd.s32 $0x9000, s2;
	s29 =	sor.u32 $0x10, s25;
	v23 =	vld [tilespmem:s14+$0x200];
	v22 =	vmul.bf16 v11, v22;
	v26 =	vadd.bf16 v26, v27;
	v31 =	vshll.u32 v20, $0x10  }
0xab: {  	s0 =	sadd.s32 $0x5000, s2;
	s7 =	sor.u32 s29, s1;
	v27 =	vld [tilespmem:s14+$0x300];
	v20 =	vand.u32 $0xFFFF0000, v20;
	v39 =	vshll.u32 v19, $0x10;
	v19 =	vand.u32 $0xFFFF0000, v19  }
0xac: {  	s4 =	sor.u32 s26, s15;
	v25 =	vmul.bf16 v5, v25;
	s15 =	sor.u32 s29, s0;
	v42 =	vld [tilespmem:s7+$0x0];
	v20 =	vadd.f32 v20, v31;
	v19 =	vadd.f32 v19, v39  }
0xad: {  	v29 =	vmul.bf16 v13, v29;
	v44 =	vld [tilespmem:s15+$0x200];
	v21 =	vmul.bf16 v12, v21;
	v22 =	vadd.bf16 v22, v24  }
0xae: {  	v31 =	vld [tilespmem:s4+$0x0];
	v25 =	vadd.bf16 v25, v26;
	v24 =	vshrl.u32 v20, $0x10;
	v34 =	vshrl.u32 v19, $0x10  }
0xaf: {  	s3 =	sor.u32 s26, s3;
	v26 =	vld [tilespmem:s14+$0x380];
	s4 =	sadd.s32 $0x9100, s2;
	v21 =	vadd.bf16 v21, v22;
	v24 =	vand.u32 $0x1, v24;
	v34 =	vand.u32 $0x1, v34  }
0xb0: {  	s16 =	sor.u32 s29, s4;
	v22 =	vld [tilespmem:s3+$0x0];
	v20 =	vadd.s32 v24, v20;
	v19 =	vadd.s32 v34, v19;
	v24 =	vmul.bf16 v6, v28  }
0xb1: {  	v23 =	vmul.bf16 v7, v23;
	v43 =	vld [tilespmem:s16+$0x0];
	v20 =	vadd.s32 $0x7FFF, v20;
	v19 =	vadd.s32 $0x7FFF, v19  }
0xb2: {  	s3 =	sadd.s32 $0x9080, s2;
	v28 =	vld [tilespmem:s15+$0x0];
	v20 =	vshrl.u32 v20, $0x10;
	v19 =	vand.u32 $0xFFFF0000, v19;
	v24 =	vadd.bf16 v24, v25  }
0xb3: {  	s14 =	sor.u32 s29, s3;
	v25 =	vld [tilespmem:s15+$0x80];
	v19 =	vor.u32 v20, v19;
	v20 =	vadd.bf16 v29, v21;
	v21 =	vmul.bf16 v14, v30  }
0xb4: {  	s6 =	sadd.s32 $0x9180, s2;
	s5 =	sadd.s32 $0x9200, s2;
	v29 =	vld [tilespmem:s14+$0x0];
	v30 =	vmul.bf16 v9, v40;
	v23 =	vadd.bf16 v23, v24  }
0xb5: {  	s18 =	sor.u32 s29, s6;
	s26 =	sor.u32 s29, s5;
	v24 =	vmul.bf16 v15, v31;
	v31 =	vld [tilespmem:s15+$0x100];
	v20 =	vadd.bf16 v21, v20  }
0xb6: {  	s16 =	sadd.s32 $0x9300, s2;
	v27 =	vmul.bf16 v8, v27;
	s14 =	sadd.s32 $0x9280, s2;
	s2 =	sadd.s32 $0x9380, s2;
	v23 =	vadd.bf16 v30, v23;
	v30 =	vld [tilespmem:s15+$0x180]  }
0xb7: {  	v26 =	vmul.bf16 v18, v26;
	v20 =	vadd.bf16 v24, v20;
	v24 =	vmul.bf16 v3, v28;
	v28 =	vld [tilespmem:s18+$0x0];
	s18 =	sor.u32 s25, s1;
	s1 =	sor.u32 s25, s4;
	s4 =	sor.u32 s25, s5  }
0xb8: {  	s7 =	sor.u32 s29, s14;
	v21 =	vmul.bf16 v16, v41;
	v25 =	vmul.bf16 v4, v25;
	s5 =	sor.u32 s25, s14;
	s14 =	sor.u32 s25, s2;
	v35 =	vld [tilespmem:s4+$0x0]  }
0xb9: {  	v23 =	vadd.bf16 v27, v23;
	v27 =	vmul.bf16 v10, v42;
	v29 =	vmul.bf16 v11, v29;
	v52 =	vld [tilespmem:s14+$0x0]  }
0xba: {  	v22 =	vmul.bf16 v17, v22;
	v20 =	vadd.bf16 v21, v20;
	v21 =	vadd.bf16 v25, v24;
	v25 =	vld [tilespmem:s26+$0x0]  }
0xbb: {  	v24 =	vmul.bf16 v5, v31;
	s26 =	sor.u32 s29, s16;
	v23 =	vadd.bf16 v26, v23;
	v26 =	vadd.bf16 v29, v27;
	v29 =	vld [tilespmem:s15+$0x280]  }
0xbc: {  	v27 =	vmul.bf16 v12, v43;
	v31 =	vld [tilespmem:s26+$0x0];
	v20 =	vadd.bf16 v22, v20  }
0xbd: {  	v21 =	vadd.bf16 v24, v21;
	v22 =	vmul.bf16 v6, v30;
	v24 =	vld [tilespmem:s7+$0x0];
	v30 =	vshll.u32 v23, $0x10  }
0xbe: {  	s26 =	sor.u32 s25, s3;
	v26 =	vadd.bf16 v27, v26;
	v27 =	vmul.bf16 v13, v28;
	v28 =	vld [tilespmem:s15+$0x300];
	v23 =	vand.u32 $0xFFFF0000, v23  }
0xbf: {  	v47 =	vld [tilespmem:s26+$0x0];
	v21 =	vadd.bf16 v22, v21;
	v22 =	vmul.bf16 v7, v44;
	v45 =	vshll.u32 v20, $0x10  }
0xc0: {  	s7 =	sor.u32 s29, s2;
	v20 =	vand.u32 $0xFFFF0000, v20;
	v26 =	vadd.bf16 v27, v26;
	v25 =	vmul.bf16 v14, v25;
	v27 =	vld [tilespmem:s15+$0x380]  }
0xc1: {  	v23 =	vadd.f32 v23, v30;
	s15 =	sor.u32 s25, s0;
	v21 =	vadd.bf16 v22, v21;
	v22 =	vmul.bf16 v9, v29;
	v29 =	vld [tilespmem:s7+$0x0]  }
0xc2: {  	v35 =	vmul.bf16 v14, v35;
	v30 =	vld [tilespmem:s15+$0x0];
	v25 =	vadd.bf16 v25, v26;
	v24 =	vmul.bf16 v15, v24  }
0xc3: {  	v20 =	vadd.f32 v20, v45;
	v46 =	vld [tilespmem:s15+$0x80];
	v21 =	vadd.bf16 v22, v21;
	v22 =	vmul.bf16 v8, v28  }
0xc4: {  	v26 =	vld [tilespmem:s18+$0x0];
	v28 =	vshrl.u32 v23, $0x10;
	v24 =	vadd.bf16 v24, v25;
	v25 =	vmul.bf16 v16, v31  }
0xc5: {  	v48 =	vld [tilespmem:s15+$0x200];
	v33 =	vmul.bf16 v11, v47;
	v28 =	vand.u32 $0x1, v28;
	v21 =	vadd.bf16 v22, v21  }
0xc6: {  	v22 =	vmul.bf16 v18, v27;
	v27 =	vld [tilespmem:s15+$0x100];
	v24 =	vadd.bf16 v25, v24;
	v25 =	vmul.bf16 v17, v29  }
0xc7: {  	v31 =	vshrl.u32 v20, $0x10;
	v23 =	vadd.s32 v28, v23;
	v28 =	vmul.bf16 v3, v30;
	v30 =	vld [tilespmem:s1+$0x0]  }
0xc8: {  	v51 =	vld [tilespmem:s15+$0x380];
	v29 =	vand.u32 $0x1, v31;
	v21 =	vadd.bf16 v22, v21;
	v24 =	vadd.bf16 v25, v24  }
0xc9: {  	s3 =	sor.u32 s25, s6;
	v20 =	vadd.s32 v29, v20;
	v22 =	vld [tilespmem:s15+$0x180];
	v25 =	vmul.bf16 v10, v26;
	v26 =	vmul.bf16 v4, v46  }
0xca: {  	v29 =	vld [tilespmem:s3+$0x0];
	v31 =	vshll.u32 v21, $0x10;
	v21 =	vand.u32 $0xFFFF0000, v21;
	v49 =	vshll.u32 v24, $0x10  }
0xcb: {  	s26 =	simm.s32 $0x40;
	s7 =	simm.s32 $0x200;
	v24 =	vand.u32 $0xFFFF0000, v24;
	v26 =	vadd.bf16 v26, v28;
	v27 =	vmul.bf16 v5, v27;
	v28 =	vld [tilespmem:s15+$0x280]  }
0xcc: {  	s31 =	sand.u32 $0x60, s26;
	v21 =	vadd.f32 v21, v31;
	v25 =	vadd.bf16 v33, v25;
	v31 =	vld [tilespmem:s5+$0x0];
	s5 =	sand.u32 $0x3C00, s7;
	v30 =	vmul.bf16 v12, v30  }
0xcd: {  	s6 =	sor.u32 s25, s16;
	s25 =	sor.u32 $0x10, s31;
	v23 =	vadd.s32 $0x7FFF, v23;
	v24 =	vadd.f32 v24, v49;
	s0 =	sadd.s32 $0x5000, s5;
	v26 =	vadd.bf16 v27, v26;
	v27 =	vld [tilespmem:s15+$0x300]  }
0xce: {  	v32 =	vmul.bf16 v7, v48;
	v53 =	vmul.bf16 v18, v51;
	s15 =	sor.u32 s25, s0;
	v25 =	vadd.bf16 v30, v25;
	v30 =	vld [tilespmem:s6+$0x0]  }
0xcf: {  	v20 =	vadd.s32 $0x7FFF, v20;
	s3 =	sadd.s32 $0x9080, s5;
	v50 =	vshrl.u32 v21, $0x10;
	s30 =	sor.u32 s31, s0;
	v34 =	vshrl.u32 v24, $0x10;
	v54 =	vld [tilespmem:s15+$0x100]  }
0xd0: {  	v22 =	vmul.bf16 v6, v22;
	s18 =	sor.u32 s25, s3;
	s3 =	sor.u32 s31, s3;
	v33 =	vand.u32 $0x1, v50;
	v59 =	vld [tilespmem:s30+$0x80];
	v34 =	vand.u32 $0x1, v34  }
0xd1: {  	s2 =	sadd.s32 $0x9000, s5;
	v29 =	vmul.bf16 v13, v29;
	v60 =	vld [tilespmem:s3+$0x0];
	v21 =	vadd.s32 v33, v21;
	v24 =	vadd.s32 v34, v24  }
0xd2: {  	s16 =	sor.u32 s25, s2;
	v22 =	vadd.bf16 v22, v26;
	v26 =	vld [tilespmem:s15+$0x0];
	v21 =	vadd.s32 $0x7FFF, v21;
	v24 =	vadd.s32 $0x7FFF, v24  }
0xd3: {  	v25 =	vadd.bf16 v29, v25;
	v29 =	vld [tilespmem:s16+$0x0];
	v21 =	vshrl.u32 v21, $0x10;
	v24 =	vand.u32 $0xFFFF0000, v24  }
0xd4: {  	v22 =	vadd.bf16 v32, v22;
	v27 =	vmul.bf16 v8, v27;
	v36 =	vor.u32 v21, v24;
	v24 =	vld [tilespmem:s15+$0x80]  }
0xd5: {  	s6 =	sadd.s32 $0x9100, s5;
	v25 =	vadd.bf16 v35, v25;
	v21 =	vmul.bf16 v9, v28;
	v28 =	vmul.bf16 v15, v31;
	v31 =	vld [tilespmem:s18+$0x0]  }
0xd6: {  	v20 =	vand.u32 $0xFFFF0000, v20;
	v55 =	vld [tilespmem:s15+$0x180];
	s4 =	sor.u32 s25, s6;
	v30 =	vmul.bf16 v16, v30;
	v32 =	vmul.bf16 v4, v59  }
0xd7: {  	s14 =	sadd.s32 $0x9180, s5;
	v21 =	vadd.bf16 v21, v22;
	v22 =	vshrl.u32 v23, $0x10;
	v23 =	vld [tilespmem:s4+$0x0];
	v25 =	vadd.bf16 v28, v25  }
0xd8: {  	s7 =	sor.u32 s25, s14;
	s16 =	sadd.s32 $0x9200, s5;
	v56 =	vor.u32 v22, v20;
	v20 =	vmul.bf16 v3, v26;
	v26 =	vmul.bf16 v10, v29;
	v29 =	vld [tilespmem:s15+$0x200]  }
0xd9: {  	s1 =	sadd.s32 $0x9280, s5;
	s18 =	sor.u32 s25, s16;
	v62 =	vmul.bf16 v11, v60;
	v21 =	vadd.bf16 v27, v21;
	v22 =	vmul.bf16 v4, v24;
	v24 =	vld [tilespmem:s7+$0x0]  }
0xda: {  	v28 =	vmul.bf16 v17, v52;
	v25 =	vadd.bf16 v30, v25;
	v30 =	vld [tilespmem:s18+$0x0];
	v27 =	vmul.bf16 v11, v31;
	s7 =	sor.u32 s25, s1  }
0xdb: {  	s4 =	sadd.s32 $0x9300, s5;
	v21 =	vadd.bf16 v53, v21;
	v31 =	vld [tilespmem:s7+$0x0];
	v20 =	vadd.bf16 v22, v20;
	v22 =	vmul.bf16 v5, v54  }
0xdc: {  	v25 =	vadd.bf16 v28, v25;
	s7 =	sor.u32 s25, s4;
	v26 =	vadd.bf16 v27, v26;
	v23 =	vmul.bf16 v12, v23;
	v27 =	vld [tilespmem:s15+$0x280]  }
0xdd: {  	s5 =	sadd.s32 $0x9380, s5;
	v58 =	vld [tilespmem:s7+$0x0];
	v28 =	vshll.u32 v21, $0x10;
	v20 =	vadd.bf16 v22, v20;
	v22 =	vmul.bf16 v6, v55  }
0xde: {  	s18 =	sor.u32 s25, s5;
	v21 =	vand.u32 $0xFFFF0000, v21;
	v23 =	vadd.bf16 v23, v26;
	v26 =	vld [tilespmem:s15+$0x300];
	v24 =	vmul.bf16 v13, v24  }
0xdf: {  	v21 =	vadd.f32 v21, v28;
	v28 =	vld [tilespmem:s18+$0x0];
	v20 =	vadd.bf16 v22, v20;
	v22 =	vmul.bf16 v7, v29  }
0xe0: {  	v57 =	vshll.u32 v25, $0x10;
	v29 =	vld [tilespmem:s15+$0x380];
	v23 =	vadd.bf16 v24, v23;
	v24 =	vmul.bf16 v14, v30  }
0xe1: {  	v25 =	vand.u32 $0xFFFF0000, v25;
	v20 =	vadd.bf16 v22, v20;
	v22 =	vmul.bf16 v9, v27  }
0xe2: {  	s2 =	sor.u32 s31, s2;
	v25 =	vadd.f32 v25, v57;
	v27 =	vld [tilespmem:s30+$0x0];
	v23 =	vadd.bf16 v24, v23;
	v24 =	vmul.bf16 v15, v31  }
0xe3: {  	v30 =	vshrl.u32 v21, $0x10;
	v31 =	vld [tilespmem:s2+$0x0];
	v20 =	vadd.bf16 v22, v20;
	v22 =	vmul.bf16 v8, v26  }
0xe4: {  	s15 =	sand.u32 $0x780, s19;
	v30 =	vand.u32 $0x1, v30;
	v23 =	vadd.bf16 v24, v23;
	v24 =	vmul.bf16 v16, v58  }
0xe5: {  	s1 =	sor.u32 s31, s1;
	s0 =	sor.u32 s23, s15;
	v28 =	vmul.bf16 v17, v28;
	v20 =	vadd.bf16 v22, v20;
	v22 =	vmul.bf16 v18, v29  }
0xe6: {  	[tilespmem:s0+$0x15000] =	vst v19;
	v19 =	vld [tilespmem:s1+$0x0];
	v21 =	vadd.s32 v30, v21;
	v26 =	vshrl.u32 v25, $0x10;
	v24 =	vadd.bf16 v24, v23  }
0xe7: {  	s6 =	sor.u32 s31, s6;
	v30 =	vld [tilespmem:s30+$0x100];
	v26 =	vand.u32 $0x1, v26;
	v27 =	vmul.bf16 v3, v27;
	v22 =	vadd.bf16 v22, v20  }
0xe8: {  	v29 =	vld [tilespmem:s6+$0x0];
	v61 =	vadd.s32 v26, v25;
	v31 =	vmul.bf16 v10, v31;
	v24 =	vadd.bf16 v28, v24  }
0xe9: {  	s7 =	sor.u32 s31, s14;
	v26 =	vld [tilespmem:s30+$0x180];
	v20 =	vadd.s32 $0x7FFF, v21;
	v32 =	vadd.bf16 v32, v27;
	v21 =	vshll.u32 v22, $0x10  }
0xea: {  	v23 =	vld [tilespmem:s7+$0x0];
	v25 =	vand.u32 $0xFFFF0000, v22;
	v28 =	vshll.u32 v24, $0x10;
	v24 =	vand.u32 $0xFFFF0000, v24  }
0xeb: {  	s14 =	sor.u32 s31, s16;
	s16 =	sand.u32 $0x780, s28;
	v27 =	vld [tilespmem:s30+$0x280];
	v25 =	vadd.f32 v25, v21;
	v28 =	vadd.f32 v24, v28  }
0xec: {  	s18 =	sor.u32 s29, s16;
	v30 =	vmul.bf16 v5, v30;
	v22 =	vld [tilespmem:s14+$0x0];
	v34 =	vadd.bf16 v62, v31;
	v21 =	vadd.s32 $0x7FFF, v61  }
0xed: {  	s4 =	sor.u32 s31, s4;
	s28 =	simm.s32 $0x4;
	[tilespmem:s18+$0x15000] =	vst v36;
	s23 =	simm.s32 $0x15000;
	v33 =	vmul.bf16 v12, v29;
	v24 =	vld [tilespmem:s30+$0x200];
	v31 =	vshrl.u32 v25, $0x10;
	v63 =	vshrl.u32 v28, $0x10  }
0xee: {  	s29 =	simm.s32 $0x300;
	[tilespmem:s23+$0x0] =	vst v56;
	s2 =	sor.u32 s31, s5;
	s31 =	simm.s32 $0x60;
	v30 =	vadd.bf16 v30, v32;
	v29 =	vld [tilespmem:s30+$0x300];
	v31 =	vand.u32 $0x1, v31;
	v32 =	vand.u32 $0x1, v63  }
.LBB2_5:
0xef: {  	s0 =	sand.u32 $0x60, s31;
	s3 =	sand.u32 $0x3C00, s29;
	v33 =	vadd.bf16 v33, v34;
	v34 =	vld [tilespmem:s4+$0x0];
	v25 =	vadd.s32 v31, v25;
	v28 =	vadd.s32 v32, v28  }
0xf0: {  	v26 =	vmul.bf16 v6, v26;
	s1 =	sadd.s32 $0x5000, s3;
	s4 =	sor.u32 $0x10, s0;
	v31 =	vld [tilespmem:s30+$0x380];
	v25 =	vadd.s32 $0x7FFF, v25;
	v28 =	vadd.s32 $0x7FFF, v28  }
0xf1: {  	v23 =	vmul.bf16 v13, v23;
	s5 =	sadd.s32 $0x9000, s3;
	s14 =	sor.u32 s4, s1;
	v32 =	vld [tilespmem:s2+$0x0];
	v25 =	vshrl.u32 v25, $0x10;
	v28 =	vand.u32 $0xFFFF0000, v28;
	s2 =	sand.u32 $0x780, s26  }
0xf2: {  	s28 =	sadd.s32 $0x2, s28;
	v24 =	vmul.bf16 v7, v24;
	s6 =	sor.u32 s4, s5;
	v26 =	vadd.bf16 v26, v30;
	v35 =	vld [tilespmem:s14+$0x0];
	v25 =	vor.u32 v25, v28;
	s2 =	sor.u32 s25, s2  }
0xf3: {  	p0 =	slt.u32 s28, $0x7E;
	v22 =	vmul.bf16 v14, v22;
	s30 =	sor.u32 s0, s1;
	s1 =	sadd.s32 $0x9080, s3;
	v23 =	vadd.bf16 v23, v33;
	v27 =	vmul.bf16 v9, v27;
	v28 =	vld [tilespmem:s6+$0x0];
	[tilespmem:s2+$0x15000] =	vst v25  }
0xf4: {  	s15 =	sor.u32 s0, s1;
	s1 =	sor.u32 s4, s1;
	v19 =	vmul.bf16 v15, v19;
	s6 =	sor.u32 s0, s5;
	v24 =	vadd.bf16 v24, v26;
	v26 =	vmul.bf16 v8, v29;
	v25 =	vld [tilespmem:s14+$0x80]  }
0xf5: {  	s26 =	smov.u32 s31;
	s25 =	smov.u32 s4;
	s2 =	sadd.s32 $0x9100, s3;
	v22 =	vadd.bf16 v22, v23;
	v23 =	vmul.bf16 v16, v34;
	v29 =	vld [tilespmem:s1+$0x0];
	v30 =	vmul.bf16 v18, v31  }
0xf6: {  	v20 =	vshrl.u32 v20, $0x10;
	s5 =	sor.u32 s0, s2;
	s1 =	sor.u32 s25, s2;
	v24 =	vadd.bf16 v27, v24;
	v31 =	vld [tilespmem:s14+$0x100];
	v27 =	vmul.bf16 v17, v32  }
0xf7: {  	v21 =	vand.u32 $0xFFFF0000, v21;
	s2 =	sadd.s32 $0x9180, s3;
	v19 =	vadd.bf16 v19, v22;
	v32 =	vld [tilespmem:s1+$0x0]  }
0xf8: {  	s23 =	sadd.s32 $0x20, s23;
	v20 =	vor.u32 v20, v21;
	s18 =	sor.u32 s0, s2;
	s1 =	sor.u32 s25, s2;
	v24 =	vadd.bf16 v26, v24;
	v22 =	vld [tilespmem:s14+$0x180]  }
0xf9: {  	s2 =	sadd.s32 $0x9200, s3;
	v21 =	vmul.bf16 v3, v35;
	v19 =	vadd.bf16 v23, v19;
	v25 =	vmul.bf16 v4, v25;
	v26 =	vld [tilespmem:s1+$0x0];
	[tilespmem:s23+$0x0] =	vst v20  }
0xfa: {  	s1 =	sor.u32 s0, s2;
	v20 =	vmul.bf16 v10, v28;
	s2 =	sor.u32 s25, s2;
	v24 =	vadd.bf16 v30, v24;
	v23 =	vmul.bf16 v11, v29;
	v28 =	vld [tilespmem:s14+$0x200]  }
0xfb: {  	s4 =	sadd.s32 $0x9280, s3;
	v19 =	vadd.bf16 v27, v19;
	v21 =	vadd.bf16 v25, v21;
	v25 =	vmul.bf16 v5, v31;
	v29 =	vld [tilespmem:s2+$0x0]  }
0xfc: {  	s16 =	sor.u32 s0, s4;
	s2 =	sor.u32 s25, s4;
	v30 =	vshll.u32 v24, $0x10;
	v20 =	vadd.bf16 v23, v20;
	v23 =	vmul.bf16 v12, v32;
	v27 =	vld [tilespmem:s14+$0x280]  }
0xfd: {  	s7 =	sadd.s32 $0x9300, s3;
	v24 =	vand.u32 $0xFFFF0000, v24;
	v21 =	vadd.bf16 v25, v21;
	v22 =	vmul.bf16 v6, v22;
	v25 =	vld [tilespmem:s2+$0x0]  }
0xfe: {  	s4 =	sor.u32 s0, s7;
	v31 =	vshll.u32 v19, $0x10;
	s2 =	sor.u32 s25, s7;
	v20 =	vadd.bf16 v23, v20;
	v23 =	vmul.bf16 v13, v26;
	v26 =	vld [tilespmem:s14+$0x300]  }
0xff: {  	s3 =	sadd.s32 $0x9380, s3;
	v19 =	vand.u32 $0xFFFF0000, v19;
	v21 =	vadd.bf16 v22, v21;
	v22 =	vmul.bf16 v7, v28;
	v28 =	vld [tilespmem:s2+$0x0]  }
0x100: {  	v24 =	vadd.f32 v24, v30;
	s2 =	sor.u32 s0, s3;
	s0 =	sor.u32 s25, s3;
	v20 =	vadd.bf16 v23, v20;
	v23 =	vmul.bf16 v14, v29;
	v29 =	vld [tilespmem:s14+$0x380]  }
0x101: {  	v19 =	vadd.f32 v19, v31;
	v21 =	vadd.bf16 v22, v21;
	v22 =	vmul.bf16 v9, v27;
	v27 =	vld [tilespmem:s0+$0x0]  }
0x102: {  	v30 =	vld [tilespmem:s30+$0x0];
	v20 =	vadd.bf16 v23, v20;
	v23 =	vmul.bf16 v15, v25;
	v25 =	vshrl.u32 v24, $0x10  }
0x103: {  	v31 =	vld [tilespmem:s6+$0x0];
	v21 =	vadd.bf16 v22, v21;
	v22 =	vmul.bf16 v8, v26;
	v26 =	vshrl.u32 v19, $0x10  }
0x104: {  	v25 =	vand.u32 $0x1, v25;
	v32 =	vld [tilespmem:s30+$0x80];
	v20 =	vadd.bf16 v23, v20;
	v23 =	vmul.bf16 v16, v28  }
0x105: {  	v26 =	vand.u32 $0x1, v26;
	v28 =	vld [tilespmem:s15+$0x0];
	v21 =	vadd.bf16 v22, v21;
	v22 =	vmul.bf16 v18, v29  }
0x106: {  	v24 =	vadd.s32 v25, v24;
	v29 =	vld [tilespmem:s30+$0x100];
	v20 =	vadd.bf16 v23, v20;
	v23 =	vmul.bf16 v17, v27  }
0x107: {  	v19 =	vadd.s32 v26, v19;
	v27 =	vmul.bf16 v3, v30;
	v30 =	vld [tilespmem:s5+$0x0];
	v22 =	vadd.bf16 v22, v21  }
0x108: {  	v31 =	vmul.bf16 v10, v31;
	v26 =	vld [tilespmem:s30+$0x180];
	v25 =	vadd.bf16 v23, v20;
	v20 =	vadd.s32 $0x7FFF, v24  }
0x109: {  	v21 =	vadd.s32 $0x7FFF, v19;
	v32 =	vmul.bf16 v4, v32;
	v23 =	vld [tilespmem:s18+$0x0];
	v33 =	vshll.u32 v22, $0x10  }
.Ltmp1:
0x10a: {  	v19 =	vand.u32 $0xFFFF0000, v22;
	v24 =	vld [tilespmem:s30+$0x200];
	v34 =	vshll.u32 v25, $0x10;
	v35 =	vand.u32 $0xFFFF0000, v25;
	(pc) =	sbr.rel @p0 .LBB2_5-.Ltmp1, $4  }
0x10b: {  	v36 =	vmul.bf16 v11, v28;
	v25 =	vadd.f32 v19, v33;
	v22 =	vld [tilespmem:s1+$0x0];
	v28 =	vadd.f32 v35, v34  }
0x10c: {  	v32 =	vadd.bf16 v32, v27;
	v29 =	vmul.bf16 v5, v29;
	v33 =	vmul.bf16 v12, v30;
	v27 =	vld [tilespmem:s30+$0x280]  }
0x10d: {  	v34 =	vadd.bf16 v36, v31;
	v31 =	vshrl.u32 v25, $0x10;
	v19 =	vld [tilespmem:s16+$0x0];
	v35 =	vshrl.u32 v28, $0x10  }
0x10e: {  	s29 =	sadd.s32 $0x100, s29;
	s31 =	sadd.s32 $0x20, s31;
	v30 =	vadd.bf16 v29, v32;
	v31 =	vand.u32 $0x1, v31;
	v29 =	vld [tilespmem:s30+$0x300];
	v32 =	vand.u32 $0x1, v35  }
0x10f: {  	v3 =	vmul.bf16 v6, v26  }
0x110: {  	v4 =	vadd.bf16 v33, v34;
	v5 =	vmul.bf16 v13, v23  }
0x111: {  	v6 =	vld [tilespmem:s4+$0x0];
	v7 =	vmul.bf16 v7, v24;
	v3 =	vadd.bf16 v3, v30  }
0x112: {  	v10 =	vld [tilespmem:s30+$0x380];
	v4 =	vadd.bf16 v5, v4;
	v5 =	vmul.bf16 v14, v22  }
0x113: {  	v11 =	vld [tilespmem:s2+$0x0];
	v9 =	vmul.bf16 v9, v27;
	v3 =	vadd.bf16 v7, v3  }
0x114: {  	v7 =	vmul.bf16 v15, v19;
	v4 =	vadd.bf16 v5, v4  }
0x115: {  	v5 =	vmul.bf16 v8, v29;
	v3 =	vadd.bf16 v9, v3  }
0x116: {  	v6 =	vmul.bf16 v16, v6;
	v4 =	vadd.bf16 v7, v4  }
0x117: {  	v7 =	vmul.bf16 v18, v10;
	v3 =	vadd.bf16 v5, v3  }
0x118: {  	v5 =	vmul.bf16 v17, v11;
	v4 =	vadd.bf16 v6, v4  }
0x119: {  	v3 =	vadd.bf16 v7, v3  }
0x11a: {  	v6 =	vadd.s32 v32, v28;
	v4 =	vadd.bf16 v5, v4  }
0x11b: {  	v6 =	vadd.s32 $0x7FFF, v6;
	v7 =	vshll.u32 v3, $0x10  }
0x11c: {  	v3 =	vand.u32 $0xFFFF0000, v3;
	v8 =	vshll.u32 v4, $0x10;
	v4 =	vand.u32 $0xFFFF0000, v4  }
0x11d: {  	v5 =	vadd.s32 v31, v25;
	v3 =	vadd.f32 v3, v7;
	v4 =	vadd.f32 v4, v8  }
0x11e: {  	v6 =	vand.u32 $0xFFFF0000, v6;
	v5 =	vadd.s32 $0x7FFF, v5  }
0x11f: {  	v5 =	vshrl.u32 v5, $0x10;
	v7 =	vshrl.u32 v3, $0x10;
	v8 =	vshrl.u32 v4, $0x10  }
0x120: {  	s0 =	sand.u32 $0x780, s26;
	v5 =	vor.u32 v5, v6;
	v6 =	vand.u32 $0x1, v7;
	v7 =	vand.u32 $0x1, v8  }
0x121: {  	s0 =	sor.u32 s25, s0;
	v8 =	vshrl.u32 v20, $0x10;
	v3 =	vadd.s32 v6, v3;
	v6 =	vand.u32 $0xFFFF0000, v21  }
0x122: {  	s1 =	sshll.u32 s20, $0x9;
	s14 =	sadd.s32 $0x20, s23;
	[tilespmem:s0+$0x15000] =	vst v5;
	v4 =	vadd.s32 v7, v4;
	v5 =	vor.u32 v8, v6  }
0x123: {  	s15 =	sand.u32 $0x20, s24;
	s16 =	rddreg [dreg:$0x3];
	s26 =	simm.s32 $0x200;
	v3 =	vadd.s32 $0x7FFF, v3;
	v4 =	vadd.s32 $0x7FFF, v4;
	[tilespmem:s14+$0x0] =	vst v5  }
0x124: {  	s31 =	simm.s32 $0x15000;
	s1 =	sand.u32 $0x7C00, s1;
	v3 =	vshrl.u32 v3, $0x10;
	v4 =	vand.u32 $0xFFFF0000, v4;
	s3 =	rddreg [dreg:$0x8]  }
0x125: {  	s0 =	sadd.s32 $0x20, s14;
	v3 =	vor.u32 v3, v4;
	s23 =	sor.u32 s3, s1;
	s1 =	sadd.s32 s16, s15  }
0x126: {  	s2 =	simm.s32 $0x3;
	s25 =	simm.s32 $0x80;
	[tilespmem:s0+$0x0] =	vst v3;
	s18 =	sadd.s32 s23, s1  }
0x127: {  	[hbm4b:s18+s25] =	stream.strided.scatter [tilespmem:s31], [sflag:$0x3], $0x800, s26, s25, $0x38;
	[tilespmem:$0x16000] =	vst v63  }
0x128: {  	_ =	swait.ge [sflag:s2], $0x800  }
0x129: {  	p0 =	seq.s32 s20, $0x3F;
	s0 =	sadd.s32 $0x20, s24;
	[sflag:s2] =	ssyncset.done $0x0  }
0x12a: {  	s0 =	simm.s32 @p0 $0x0;
	[sflag:s2] =	ssyncadd.s32 $0xFFFFF800  }
0x12b: {  	v3 =	vld [tilespmem:s0+$0x800];
	_ =	sdelay $0x4  }
0x12c: {  	v4 =	vshll.u32 v3, $0x4  }
0x12d: {  	v3 =	vand.u32 $0x3, v3;
	v4 =	vand.u32 $0xFFFFFFC0, v4  }
0x12e: {  	v3 =	vor.u32 v3, v4  }
0x12f: {  	v4 =	vperm.xlane v3, v0;
	_ =	sdelay $0x1  }
0x130: {  	v4 =	vadd.s32 v1, v4;
	_ =	sdelay $0x3  }
0x131: {  	s4 =	simm.s32 $0x5000;
	s24 =	simm.s32 $0x0;
	s3 =	rddreg [dreg:$0x0]  }
0x132: {  	[tilespmem:s4], [sflag:$0x1] =	stream.indirect_vreg.gather [hbm4b:s3+s24], $0x80, v4, vm0, $0xb8;
	[tilespmem:$0x16000] =	vst v63  }
0x133: {  	s6 =	simm.s32 $0x5800;
	s5 =	rddreg [dreg:$0x7]  }
0x134: {  	[tilespmem:s6], [sflag:$0x1] =	stream.indirect_vreg.gather [hbm4b:s5+s24], $0x80, v4, vm0, $0xb8;
	[tilespmem:$0x16000] =	vst v63  }
0x135: {  	s7 =	simm.s32 $0x6000  }
0x136: {  	[tilespmem:s7], [sflag:$0x1] =	stream.indirect_vreg.gather [hbm4b:s8+s24], $0x80, v4, vm0, $0xb8;
	[tilespmem:$0x16000] =	vst v63  }
0x137: {  	s14 =	simm.s32 $0x6800  }
0x138: {  	[tilespmem:s14], [sflag:$0x1] =	stream.indirect_vreg.gather [hbm4b:s9+s24], $0x80, v4, vm0, $0xb8;
	[tilespmem:$0x16000] =	vst v63  }
0x139: {  	s15 =	simm.s32 $0x7000  }
0x13a: {  	[tilespmem:s15], [sflag:$0x1] =	stream.indirect_vreg.gather [hbm4b:s10+s24], $0x80, v4, vm0, $0xb8;
	[tilespmem:$0x16000] =	vst v63  }
0x13b: {  	s16 =	simm.s32 $0x7800;
	v3 =	vperm.xlane v3, v2  }
0x13c: {  	[tilespmem:s16], [sflag:$0x1] =	stream.indirect_vreg.gather [hbm4b:s11+s24], $0x80, v4, vm0, $0xb8;
	[tilespmem:$0x16000] =	vst v63  }
0x13d: {  	s18 =	simm.s32 $0x8000;
	v3 =	vadd.s32 v1, v3  }
0x13e: {  	[tilespmem:s18], [sflag:$0x1] =	stream.indirect_vreg.gather [hbm4b:s12+s24], $0x80, v4, vm0, $0xb8;
	[tilespmem:$0x16000] =	vst v63  }
0x13f: {  	s25 =	simm.s32 $0x8800  }
0x140: {  	[tilespmem:s25], [sflag:$0x1] =	stream.indirect_vreg.gather [hbm4b:s13+s24], $0x80, v4, vm0, $0xb8;
	[tilespmem:$0x16000] =	vst v63  }
0x141: {  	s26 =	simm.s32 $0x9000  }
0x142: {  	[tilespmem:s26], [sflag:$0x1] =	stream.indirect_vreg.gather [hbm4b:s3+s24], $0x80, v3, vm0, $0xb8;
	[tilespmem:$0x16000] =	vst v63  }
0x143: {  	s31 =	simm.s32 $0x9800  }
0x144: {  	[tilespmem:s31], [sflag:$0x1] =	stream.indirect_vreg.gather [hbm4b:s5+s24], $0x80, v3, vm0, $0xb8;
	[tilespmem:$0x16000] =	vst v63  }
0x145: {  	s2 =	simm.s32 $0xA000  }
0x146: {  	[tilespmem:s2], [sflag:$0x1] =	stream.indirect_vreg.gather [hbm4b:s8+s24], $0x80, v3, vm0, $0xb8;
	[tilespmem:$0x16000] =	vst v63  }
0x147: {  	s3 =	simm.s32 $0xA800  }
0x148: {  	[tilespmem:s3], [sflag:$0x1] =	stream.indirect_vreg.gather [hbm4b:s9+s24], $0x80, v3, vm0, $0xb8;
	[tilespmem:$0x16000] =	vst v63  }
0x149: {  	s4 =	simm.s32 $0xB000  }
0x14a: {  	[tilespmem:s4], [sflag:$0x1] =	stream.indirect_vreg.gather [hbm4b:s10+s24], $0x80, v3, vm0, $0xb8;
	[tilespmem:$0x16000] =	vst v63  }
0x14b: {  	s5 =	simm.s32 $0xB800  }
0x14c: {  	v4 =	vmov s21;
	[tilespmem:s5], [sflag:$0x1] =	stream.indirect_vreg.gather [hbm4b:s11+s24], $0x80, v3, vm0, $0xb8;
	[tilespmem:$0x16000] =	vst v63  }
0x14d: {  	s6 =	simm.s32 $0xC000;
	s7 =	sor.u32 $0x1, s21;
	v4 =	vand.u32 $0xFFFFFFF0, v4  }
0x14e: {  	v4 =	vbroadcast v4, $0x0;
	[tilespmem:s6], [sflag:$0x1] =	stream.indirect_vreg.gather [hbm4b:s12+s24], $0x80, v3, vm0, $0xb8;
	[tilespmem:$0x16000] =	vst v63  }
0x14f: {  	s14 =	sshll.u32 s22, $0x7;
	s15 =	simm.s32 $0xC800;
	s16 =	simm.s32 $0x2  }
0x150: {  	v5 =	vmov s7;
	v6 =	vmov s14;
	[tilespmem:s15], [sflag:$0x1] =	stream.indirect_vreg.gather [hbm4b:s13+s24], $0x80, v3, vm0, $0xb8;
	[tilespmem:$0x16000] =	vst v63  }
0x151: {  	v8 =	vor.u32 $0x2, v6;
	v3 =	vand.u32 $0xFFFFFFF1, v5;
	_ =	swait.ge [sflag:s16], $0x8000  }
0x152: {  	v5 =	vor.u32 $0x1, v6;
	v3 =	vbroadcast v3, $0x0;
	[sflag:s16] =	ssyncset.done $0x0  }
0x153: {  	[sflag:s16] =	ssyncadd.s32 $0xFFFF8000  }
0x154: {  	v4 =	vld.idx.msk [tilespmem:v4+s24+$0x0], $0xffff  }
0x155: {  	s18 =	sor.u32 $0x2, s21;
	v11 =	vld.idx.msk [tilespmem:v6+s17+$0x0], $0xffff  }
0x156: {  	v7 =	vmov s18;
	v12 =	vld.idx.msk [tilespmem:v8+s17+$0x0], $0xffff  }
0x157: {  	v7 =	vand.u32 $0xFFFFFFF2, v7;
	v10 =	vld.idx.msk [tilespmem:v5+s17+$0x0], $0xffff  }
0x158: {  	v7 =	vbroadcast v7, $0x0;
	s2 =	sor.u32 $0x8, s21;
	v8 =	vor.u32 $0x3, v6;
	v5 =	vld.idx.msk [tilespmem:v3+s24+$0x0], $0xffff  }
0x159: {  	s1 =	sor.u32 $0x7, s21;
	s22 =	sor.u32 $0x3, s21;
	v20 =	vmov s2  }
0x15a: {  	v19 =	vmov s1;
	v9 =	vmov s22;
	v20 =	vand.u32 $0xFFFFFFF8, v20  }
0x15b: {  	v9 =	vand.u32 $0xFFFFFFF3, v9;
	v20 =	vbroadcast v20, $0x0;
	v3 =	vand.u32 $0x1, v4  }
0x15c: {  	v4 =	vand.u32 $0xFFFF, v11;
	vm1 =	veq.s32 v3, $0x0;
	v3 =	vshll.u32 v11, $0x10  }
0x15d: {  	v13 =	vld.idx.msk [tilespmem:v8+s17+$0x0], $0xffff;
	v8 =	vbroadcast v9, $0x0;
	v3 =	vsel vm1, v4, v3;
	v5 =	vand.u32 $0x1, v5  }
0x15e: {  	s25 =	sor.u32 $0x4, s21;
	v7 =	vld.idx.msk [tilespmem:v7+s24+$0x0], $0xffff;
	v4 =	vand.u32 $0xFFFF, v10;
	vm1 =	veq.s32 v5, $0x0;
	v5 =	vshll.u32 v10, $0x10  }
0x15f: {  	v19 =	vand.u32 $0xFFFFFFF7, v19;
	v4 =	vsel vm1, v4, v5;
	v5 =	vmov s25  }
0x160: {  	v19 =	vbroadcast v19, $0x0;
	v14 =	vor.u32 $0x4, v6;
	s26 =	sor.u32 $0x5, s21;
	v5 =	vand.u32 $0xFFFFFFF4, v5  }
0x161: {  	v16 =	vor.u32 $0x5, v6;
	s31 =	sor.u32 $0x6, s21;
	v15 =	vbroadcast v5, $0x0;
	v5 =	vmov s26  }
0x162: {  	v18 =	vmov s31;
	s3 =	sor.u32 $0x9, s21;
	v20 =	vld.idx.msk [tilespmem:v20+s24+$0x0], $0xffff;
	v5 =	vand.u32 $0xFFFFFFF5, v5  }
0x163: {  	v21 =	vmov s3;
	v7 =	vand.u32 $0x1, v7;
	v8 =	vld.idx.msk [tilespmem:v8+s24+$0x0], $0xffff;
	v17 =	vbroadcast v5, $0x0  }
0x164: {  	v9 =	vand.u32 $0xFFFF, v12;
	vm1 =	veq.s32 v7, $0x0;
	v7 =	vshll.u32 v12, $0x10  }
0x165: {  	v14 =	vld.idx.msk [tilespmem:v14+s17+$0x0], $0xffff;
	v5 =	vsel vm1, v9, v7;
	v9 =	vand.u32 $0xFFFFFFF6, v18;
	v18 =	vor.u32 $0x6, v6  }
0x166: {  	s7 =	sor.u32 $0xD, s21;
	s4 =	sor.u32 $0xA, s21;
	v22 =	vld.idx.msk [tilespmem:v16+s17+$0x0], $0xffff;
	v16 =	vand.u32 $0xFFFFFFF9, v21;
	v6 =	vor.u32 $0x7, v6;
	v9 =	vbroadcast v9, $0x0  }
0x167: {  	v26 =	vmov s7;
	v21 =	vmov s4;
	v19 =	vld.idx.msk [tilespmem:v19+s24+$0x0], $0xffff;
	v24 =	vbroadcast v16, $0x0  }
0x168: {  	s5 =	sor.u32 $0xB, s21;
	v20 =	vand.u32 $0x1, v20;
	v7 =	vand.u32 $0xFFFF, v13;
	v8 =	vand.u32 $0x1, v8;
	v15 =	vld.idx.msk [tilespmem:v15+s24+$0x0], $0xffff  }
0x169: {  	s6 =	sor.u32 $0xC, s21;
	vm1 =	veq.s32 v8, $0x0;
	v23 =	vld.idx.msk [tilespmem:v17+s24+$0x0], $0xffff;
	v17 =	vand.u32 $0xFFFFFFFA, v21;
	v21 =	vmov s5  }
0x16a: {  	s14 =	sor.u32 $0xE, s21;
	s3 =	sand.u32 $0x3C00, s24;
	s26 =	sand.u32 $0x60, s24;
	v16 =	vld.idx.msk [tilespmem:v18+s17+$0x0], $0xffff;
	v18 =	vbroadcast v17, $0x0;
	v17 =	vand.u32 $0xFFFFFFFB, v21;
	v21 =	vmov s6  }
0x16b: {  	s1 =	sadd.s32 $0x11000, s3;
	s22 =	sor.u32 $0x10, s26;
	v25 =	vbroadcast v17, $0x0;
	v17 =	vld.idx.msk [tilespmem:v6+s17+$0x0], $0xffff;
	v6 =	vand.u32 $0xFFFFFFFD, v26;
	v26 =	vmov s14  }
0x16c: {  	s0 =	sadd.s32 $0xD000, s3;
	s16 =	sor.u32 s22, s1;
	v9 =	vld.idx.msk [tilespmem:v9+s24+$0x0], $0xffff;
	v21 =	vand.u32 $0xFFFFFFFC, v21;
	v27 =	vbroadcast v6, $0x0;
	v6 =	vand.u32 $0xFFFFFFFE, v26  }
0x16d: {  	v30 =	vld [tilespmem:s16+$0x0];
	v8 =	vshll.u32 v13, $0x10;
	s14 =	sor.u32 s22, s0;
	v21 =	vbroadcast v21, $0x0;
	v26 =	vbroadcast v6, $0x0  }
0x16e: {  	s15 =	sor.u32 $0xF, s21;
	v62 =	vld [tilespmem:s14+$0x200];
	v6 =	vsel vm1, v7, v8;
	v7 =	vand.u32 $0xFFFF, v14;
	v8 =	vand.u32 $0x1, v15  }
0x16f: {  	v15 =	vld.idx.msk [tilespmem:v24+s24+$0x0], $0xffff;
	v24 =	vmov s15;
	vm1 =	veq.s32 v8, $0x0;
	v8 =	vshll.u32 v14, $0x10  }
0x170: {  	v36 =	vld [tilespmem:s14+$0x280];
	v23 =	vand.u32 $0x1, v23;
	v7 =	vsel vm1, v7, v8;
	v8 =	vand.u32 $0xFFFF, v22  }
0x171: {  	vm1 =	veq.s32 v23, $0x0;
	v23 =	vshll.u32 v22, $0x10;
	v9 =	vand.u32 $0x1, v9;
	v18 =	vld.idx.msk [tilespmem:v18+s24+$0x0], $0xffff  }
0x172: {  	vm2 =	veq.s32 v9, $0x0;
	v9 =	vsel vm1, v8, v23;
	vm1 =	veq.s32 v20, $0x0;
	v20 =	vld [tilespmem:s14+$0x0]  }
0x173: {  	v25 =	vld.idx.msk [tilespmem:v25+s24+$0x0], $0xffff  }
0x174: {  	v19 =	vand.u32 $0x1, v19;
	v28 =	vand.u32 $0xFFFF, v16;
	v29 =	vshll.u32 v16, $0x10;
	v21 =	vld.idx.msk [tilespmem:v21+s24+$0x0], $0xffff  }
0x175: {  	v31 =	vshrl.u32 v14, $0x10;
	v14 =	vand.u32 $0xFFFF0000, v14;
	v8 =	vsel vm2, v28, v29;
	v27 =	vld.idx.msk [tilespmem:v27+s24+$0x0], $0xffff  }
0x176: {  	v28 =	vshrl.u32 v11, $0x10;
	v11 =	vand.u32 $0xFFFF0000, v11;
	v24 =	vld.idx.msk [tilespmem:v24+s24+$0x0], $0xffff;
	v15 =	vand.u32 $0x1, v15  }
0x177: {  	s2 =	sadd.s32 $0x11080, s3;
	v29 =	vshrl.u32 v10, $0x10;
	v26 =	vld.idx.msk [tilespmem:v26+s24+$0x0], $0xffff;
	vm2 =	veq.s32 v15, $0x0;
	v15 =	vand.u32 $0xFFFF0000, v10  }
0x178: {  	s5 =	sor.u32 s22, s2;
	v10 =	vsel vm1, v28, v11;
	v11 =	vsel vm2, v29, v15;
	v15 =	vand.u32 $0x1, v18;
	v18 =	vld [tilespmem:s14+$0x80]  }
0x179: {  	s4 =	sadd.s32 $0x11100, s3;
	v28 =	vshrl.u32 v12, $0x10;
	v12 =	vand.u32 $0xFFFF0000, v12;
	vm2 =	veq.s32 v15, $0x0;
	v15 =	vld [tilespmem:s5+$0x0]  }
0x17a: {  	s6 =	sor.u32 s22, s4;
	vm1 =	veq.s32 v19, $0x0;
	v19 =	vand.u32 $0x1, v25;
	v25 =	vld [tilespmem:s14+$0x100];
	v12 =	vsel vm2, v28, v12  }
0x17b: {  	s5 =	sadd.s32 $0x11180, s3;
	v28 =	vshrl.u32 v13, $0x10;
	vm2 =	veq.s32 v19, $0x0;
	v13 =	vand.u32 $0xFFFF0000, v13;
	v19 =	vld [tilespmem:s6+$0x0]  }
0x17c: {  	v23 =	vand.u32 $0xFFFF, v17;
	v21 =	vand.u32 $0x1, v21;
	s7 =	sor.u32 s22, s5;
	s6 =	sadd.s32 $0x11200, s3;
	v13 =	vsel vm2, v28, v13;
	v28 =	vld [tilespmem:s14+$0x180]  }
0x17d: {  	v29 =	vshll.u32 v17, $0x10;
	v27 =	vand.u32 $0x1, v27;
	vm2 =	veq.s32 v21, $0x0;
	v21 =	vld [tilespmem:s7+$0x0];
	s18 =	sor.u32 s22, s6  }
0x17e: {  	s15 =	sadd.s32 $0x11280, s3;
	v20 =	vmul.bf16 v3, v20;
	v14 =	vsel vm2, v31, v14;
	vm2 =	veq.s32 v27, $0x0;
	v27 =	vld [tilespmem:s18+$0x0];
	s18 =	sor.u32 s26, s0  }
0x17f: {  	s25 =	sor.u32 s22, s15;
	v31 =	vshrl.u32 v22, $0x10;
	v22 =	vand.u32 $0xFFFF0000, v22;
	v18 =	vmul.bf16 v4, v18;
	v39 =	vld [tilespmem:s18+$0x280]  }
0x180: {  	v30 =	vmul.bf16 v10, v30;
	v63 =	vmul.bf16 v11, v15;
	v15 =	vsel vm2, v31, v22;
	v22 =	vld [tilespmem:s25+$0x0]  }
0x181: {  	v26 =	vand.u32 $0x1, v26;
	v31 =	vld [tilespmem:s14+$0x300];
	v18 =	vadd.bf16 v18, v20;
	v20 =	vmul.bf16 v5, v25  }
0x182: {  	s16 =	sadd.s32 $0x11300, s3;
	vm2 =	veq.s32 v26, $0x0;
	v26 =	vld [tilespmem:s14+$0x380];
	s25 =	sor.u32 s26, s1;
	v19 =	vmul.bf16 v12, v19;
	v30 =	vadd.bf16 v63, v30  }
0x183: {  	v24 =	vand.u32 $0x1, v24;
	s1 =	sor.u32 s26, s4;
	s4 =	sor.u32 s26, s6;
	s6 =	sor.u32 s26, s16;
	v37 =	vld [tilespmem:s25+$0x0];
	v18 =	vadd.bf16 v20, v18;
	v20 =	vmul.bf16 v6, v28  }
0x184: {  	s31 =	sor.u32 s22, s16;
	v25 =	vshrl.u32 v16, $0x10;
	v40 =	vld [tilespmem:s6+$0x0];
	v21 =	vmul.bf16 v13, v21;
	v19 =	vadd.bf16 v19, v30  }
0x185: {  	s28 =	simm.s32 $0x20;
	s3 =	sadd.s32 $0x11380, s3;
	s7 =	simm.s32 $0x100;
	v16 =	vand.u32 $0xFFFF0000, v16;
	v28 =	vld [tilespmem:s31+$0x0];
	v18 =	vadd.bf16 v20, v18;
	v20 =	vmul.bf16 v7, v62  }
0x186: {  	s14 =	sor.u32 s22, s3;
	s25 =	sand.u32 $0x60, s28;
	v16 =	vsel vm2, v25, v16;
	v25 =	vld [tilespmem:s18+$0x0];
	s31 =	sor.u32 s26, s2;
	v19 =	vadd.bf16 v21, v19;
	v21 =	vmul.bf16 v14, v27  }
0x187: {  	vm2 =	veq.s32 v24, $0x0;
	s2 =	sor.u32 s26, s5;
	s5 =	sor.u32 s26, s15;
	s15 =	sand.u32 $0x3C00, s7;
	v30 =	vld [tilespmem:s14+$0x0];
	v18 =	vadd.bf16 v20, v18;
	v20 =	vmul.bf16 v9, v36  }
0x188: {  	s29 =	sor.u32 $0x10, s25;
	s0 =	sadd.s32 $0xD000, s15;
	v24 =	vmul.bf16 v8, v31;
	v31 =	vld [tilespmem:s31+$0x0];
	v19 =	vadd.bf16 v21, v19;
	v21 =	vmul.bf16 v15, v22  }
0x189: {  	s31 =	sor.u32 s29, s0;
	v27 =	vshrl.u32 v17, $0x10;
	v17 =	vand.u32 $0xFFFF0000, v17;
	v22 =	vld [tilespmem:s18+$0x80];
	v20 =	vadd.bf16 v20, v18  }
0x18a: {  	v44 =	vld [tilespmem:s31+$0x200];
	v18 =	vsel vm1, v23, v29;
	v19 =	vadd.bf16 v21, v19;
	v21 =	vmul.bf16 v16, v28  }
0x18b: {  	v17 =	vsel vm2, v27, v17;
	v27 =	vld [tilespmem:s2+$0x0];
	v20 =	vadd.bf16 v24, v20;
	v24 =	vmul.bf16 v18, v26  }
0x18c: {  	v28 =	vld [tilespmem:s18+$0x100];
	v19 =	vadd.bf16 v21, v19;
	v21 =	vmul.bf16 v17, v30  }
0x18d: {  	v25 =	vmul.bf16 v3, v25;
	v23 =	vld [tilespmem:s1+$0x0];
	v20 =	vadd.bf16 v24, v20  }
0x18e: {  	v29 =	vld [tilespmem:s4+$0x0];
	s4 =	sadd.s32 $0x11100, s15;
	v31 =	vmul.bf16 v11, v31;
	v22 =	vmul.bf16 v4, v22;
	v19 =	vadd.bf16 v21, v19  }
0x18f: {  	s7 =	sor.u32 s29, s4;
	v26 =	vld [tilespmem:s18+$0x180];
	v24 =	vmul.bf16 v10, v37;
	v30 =	vshll.u32 v20, $0x10;
	v20 =	vand.u32 $0xFFFF0000, v20  }
0x190: {  	v43 =	vld [tilespmem:s7+$0x0];
	v22 =	vadd.bf16 v22, v25;
	v38 =	vshll.u32 v19, $0x10;
	v19 =	vand.u32 $0xFFFF0000, v19  }
0x191: {  	v21 =	vld [tilespmem:s18+$0x200];
	v25 =	vmul.bf16 v5, v28;
	v20 =	vadd.f32 v20, v30;
	v19 =	vadd.f32 v19, v38  }
0x192: {  	v27 =	vmul.bf16 v13, v27;
	v23 =	vmul.bf16 v12, v23;
	v28 =	vld [tilespmem:s18+$0x300];
	v24 =	vadd.bf16 v31, v24  }
0x193: {  	s3 =	sor.u32 s26, s3;
	s1 =	sadd.s32 $0x11000, s15;
	v30 =	vld [tilespmem:s5+$0x0];
	v22 =	vadd.bf16 v25, v22;
	v31 =	vshrl.u32 v20, $0x10;
	v41 =	vshrl.u32 v19, $0x10  }
0x194: {  	s5 =	sor.u32 s29, s1;
	v23 =	vadd.bf16 v23, v24;
	v24 =	vld [tilespmem:s3+$0x0];
	v25 =	vand.u32 $0x1, v31;
	v34 =	vand.u32 $0x1, v41  }
0x195: {  	v42 =	vld [tilespmem:s5+$0x0];
	v20 =	vadd.s32 v25, v20;
	v25 =	vmul.bf16 v6, v26;
	v19 =	vadd.s32 v34, v19  }
0x196: {  	v21 =	vmul.bf16 v7, v21;
	v26 =	vld [tilespmem:s31+$0x0];
	v20 =	vadd.s32 $0x7FFF, v20;
	v19 =	vadd.s32 $0x7FFF, v19  }
0x197: {  	s3 =	sadd.s32 $0x11080, s15;
	v20 =	vshrl.u32 v20, $0x10;
	v22 =	vadd.bf16 v25, v22;
	v25 =	vld [tilespmem:s31+$0x80];
	v19 =	vand.u32 $0xFFFF0000, v19  }
0x198: {  	s6 =	sor.u32 s29, s3;
	v31 =	vld [tilespmem:s18+$0x380];
	v19 =	vor.u32 v20, v19;
	v20 =	vadd.bf16 v27, v23;
	v23 =	vmul.bf16 v14, v29  }
0x199: {  	s5 =	sadd.s32 $0x11200, s15;
	v27 =	vld [tilespmem:s6+$0x0];
	v29 =	vmul.bf16 v9, v39;
	v21 =	vadd.bf16 v21, v22  }
0x19a: {  	s7 =	sor.u32 s25, s1;
	s1 =	sor.u32 s25, s5;
	v22 =	vmul.bf16 v15, v30;
	v30 =	vld [tilespmem:s31+$0x100];
	v20 =	vadd.bf16 v23, v20  }
0x19b: {  	v35 =	vld [tilespmem:s1+$0x0];
	v28 =	vmul.bf16 v8, v28;
	s6 =	sadd.s32 $0x11180, s15;
	v21 =	vadd.bf16 v29, v21  }
0x19c: {  	s14 =	sor.u32 s29, s6;
	v29 =	vld [tilespmem:s31+$0x180];
	v25 =	vmul.bf16 v4, v25;
	v20 =	vadd.bf16 v22, v20;
	v22 =	vmul.bf16 v3, v26  }
0x19d: {  	s16 =	sor.u32 s29, s5;
	v31 =	vmul.bf16 v18, v31;
	v23 =	vmul.bf16 v16, v40;
	v26 =	vld [tilespmem:s14+$0x0];
	v21 =	vadd.bf16 v28, v21  }
0x19e: {  	s2 =	sadd.s32 $0x11380, s15;
	v28 =	vmul.bf16 v10, v42;
	v27 =	vmul.bf16 v11, v27;
	v22 =	vadd.bf16 v25, v22;
	v25 =	vld [tilespmem:s16+$0x0]  }
0x19f: {  	v24 =	vmul.bf16 v17, v24;
	s14 =	sadd.s32 $0x11280, s15;
	v20 =	vadd.bf16 v23, v20;
	v23 =	vmul.bf16 v5, v30;
	v30 =	vld [tilespmem:s31+$0x280];
	s16 =	sadd.s32 $0x11300, s15;
	s15 =	sor.u32 s25, s0  }
0x1a0: {  	v35 =	vmul.bf16 v14, v35;
	v21 =	vadd.bf16 v31, v21;
	v27 =	vadd.bf16 v27, v28;
	v46 =	vld [tilespmem:s15+$0x80]  }
0x1a1: {  	s18 =	sor.u32 s29, s14;
	v28 =	vmul.bf16 v12, v43;
	v48 =	vld [tilespmem:s15+$0x200];
	v20 =	vadd.bf16 v24, v20;
	v22 =	vadd.bf16 v23, v22  }
0x1a2: {  	v23 =	vmul.bf16 v6, v29;
	v24 =	vld [tilespmem:s18+$0x0];
	v29 =	vshll.u32 v21, $0x10;
	v21 =	vand.u32 $0xFFFF0000, v21  }
0x1a3: {  	s26 =	sor.u32 s29, s16;
	v27 =	vadd.bf16 v28, v27;
	v26 =	vmul.bf16 v13, v26;
	v28 =	vld [tilespmem:s31+$0x300];
	v21 =	vadd.f32 v21, v29  }
0x1a4: {  	v31 =	vld [tilespmem:s26+$0x0];
	v22 =	vadd.bf16 v23, v22;
	v23 =	vmul.bf16 v7, v44;
	v45 =	vshll.u32 v20, $0x10  }
0x1a5: {  	v20 =	vand.u32 $0xFFFF0000, v20;
	v26 =	vadd.bf16 v26, v27;
	v25 =	vmul.bf16 v14, v25;
	v27 =	vld [tilespmem:s31+$0x380];
	s31 =	sor.u32 s29, s2  }
0x1a6: {  	v20 =	vadd.f32 v20, v45;
	v22 =	vadd.bf16 v23, v22;
	v23 =	vmul.bf16 v9, v30;
	v30 =	vld [tilespmem:s31+$0x0]  }
0x1a7: {  	s18 =	sor.u32 s25, s3;
	v29 =	vld [tilespmem:s15+$0x0];
	v32 =	vmul.bf16 v7, v48;
	v25 =	vadd.bf16 v25, v26;
	v24 =	vmul.bf16 v15, v24  }
0x1a8: {  	v47 =	vld [tilespmem:s18+$0x0];
	v22 =	vadd.bf16 v23, v22;
	v23 =	vmul.bf16 v8, v28;
	v28 =	vshrl.u32 v21, $0x10  }
0x1a9: {  	v26 =	vld [tilespmem:s7+$0x0];
	v24 =	vadd.bf16 v24, v25;
	v25 =	vmul.bf16 v16, v31;
	v31 =	vshrl.u32 v20, $0x10  }
0x1aa: {  	v51 =	vld [tilespmem:s15+$0x380];
	v28 =	vand.u32 $0x1, v28;
	v22 =	vadd.bf16 v23, v22;
	v23 =	vmul.bf16 v18, v27  }
0x1ab: {  	s26 =	sor.u32 s25, s4;
	v27 =	vld [tilespmem:s15+$0x100];
	v21 =	vadd.s32 v28, v21;
	v24 =	vadd.bf16 v25, v24;
	v25 =	vmul.bf16 v17, v30  }
0x1ac: {  	s31 =	sor.u32 s25, s6;
	s6 =	simm.s32 $0x200;
	s7 =	sor.u32 s25, s2;
	v28 =	vmul.bf16 v3, v29;
	v29 =	vld [tilespmem:s26+$0x0];
	v30 =	vand.u32 $0x1, v31;
	v22 =	vadd.bf16 v23, v22  }
0x1ad: {  	s5 =	sand.u32 $0x3C00, s6;
	v33 =	vmul.bf16 v11, v47;
	v52 =	vld [tilespmem:s7+$0x0];
	s26 =	simm.s32 $0x40;
	v20 =	vadd.s32 v30, v20;
	v24 =	vadd.bf16 v25, v24  }
0x1ae: {  	s0 =	sadd.s32 $0xD000, s5;
	v30 =	vld [tilespmem:s31+$0x0];
	s31 =	sand.u32 $0x60, s26;
	v25 =	vmul.bf16 v10, v26;
	v26 =	vmul.bf16 v4, v46;
	v31 =	vshll.u32 v22, $0x10  }
0x1af: {  	v23 =	vld [tilespmem:s15+$0x180];
	s30 =	sor.u32 s31, s0;
	v22 =	vand.u32 $0xFFFF0000, v22;
	v49 =	vshll.u32 v24, $0x10;
	v24 =	vand.u32 $0xFFFF0000, v24  }
0x1b0: {  	v59 =	vld [tilespmem:s30+$0x80];
	v22 =	vadd.f32 v22, v31;
	v26 =	vadd.bf16 v26, v28;
	v27 =	vmul.bf16 v5, v27  }
0x1b1: {  	s3 =	sor.u32 s25, s14;
	v28 =	vld [tilespmem:s15+$0x280];
	v29 =	vmul.bf16 v12, v29;
	v25 =	vadd.bf16 v33, v25;
	v24 =	vadd.f32 v24, v49  }
0x1b2: {  	v21 =	vadd.s32 $0x7FFF, v21;
	v20 =	vadd.s32 $0x7FFF, v20;
	v31 =	vld [tilespmem:s3+$0x0];
	v50 =	vshrl.u32 v22, $0x10  }
0x1b3: {  	s4 =	sor.u32 s25, s16;
	s25 =	sor.u32 $0x10, s31;
	v26 =	vadd.bf16 v27, v26;
	v27 =	vld [tilespmem:s15+$0x300];
	v25 =	vadd.bf16 v29, v25;
	v34 =	vshrl.u32 v24, $0x10  }
0x1b4: {  	v29 =	vld [tilespmem:s4+$0x0];
	v23 =	vmul.bf16 v6, v23;
	s15 =	sor.u32 s25, s0;
	v33 =	vand.u32 $0x1, v50;
	v34 =	vand.u32 $0x1, v34  }
0x1b5: {  	s2 =	sadd.s32 $0x11000, s5;
	v30 =	vmul.bf16 v13, v30;
	v54 =	vld [tilespmem:s15+$0x100];
	v22 =	vadd.s32 v33, v22;
	v24 =	vadd.s32 v34, v24  }
0x1b6: {  	s14 =	sor.u32 s25, s2;
	v23 =	vadd.bf16 v23, v26;
	v26 =	vld [tilespmem:s15+$0x0];
	v22 =	vadd.s32 $0x7FFF, v22;
	v24 =	vadd.s32 $0x7FFF, v24  }
0x1b7: {  	s3 =	sadd.s32 $0x11080, s5;
	v25 =	vadd.bf16 v30, v25;
	v30 =	vld [tilespmem:s14+$0x0];
	v22 =	vshrl.u32 v22, $0x10;
	v24 =	vand.u32 $0xFFFF0000, v24  }
0x1b8: {  	v21 =	vshrl.u32 v21, $0x10;
	v20 =	vand.u32 $0xFFFF0000, v20;
	s16 =	sor.u32 s25, s3;
	v36 =	vor.u32 v22, v24;
	v24 =	vld [tilespmem:s15+$0x80]  }
0x1b9: {  	s6 =	sadd.s32 $0x11100, s5;
	v23 =	vadd.bf16 v32, v23;
	v22 =	vmul.bf16 v9, v28;
	v28 =	vmul.bf16 v15, v31;
	v31 =	vld [tilespmem:s16+$0x0]  }
0x1ba: {  	v53 =	vmul.bf16 v18, v51;
	s18 =	sor.u32 s25, s6;
	v56 =	vor.u32 v21, v20;
	v55 =	vld [tilespmem:s15+$0x180];
	v25 =	vadd.bf16 v35, v25;
	s16 =	sadd.s32 $0x11200, s5  }
0x1bb: {  	s14 =	sadd.s32 $0x11180, s5;
	v27 =	vmul.bf16 v8, v27;
	v29 =	vmul.bf16 v16, v29;
	s7 =	sor.u32 s25, s16;
	v22 =	vadd.bf16 v22, v23;
	v23 =	vld [tilespmem:s18+$0x0]  }
0x1bc: {  	s4 =	sor.u32 s25, s14;
	v20 =	vmul.bf16 v3, v26;
	v26 =	vmul.bf16 v10, v30;
	v25 =	vadd.bf16 v28, v25;
	v30 =	vld [tilespmem:s7+$0x0]  }
0x1bd: {  	s1 =	sadd.s32 $0x11280, s5;
	v32 =	vmul.bf16 v4, v59;
	v22 =	vadd.bf16 v27, v22;
	v21 =	vmul.bf16 v4, v24;
	v24 =	vld [tilespmem:s4+$0x0]  }
0x1be: {  	v28 =	vmul.bf16 v17, v52;
	s18 =	sor.u32 s25, s1;
	v25 =	vadd.bf16 v29, v25;
	v29 =	vld [tilespmem:s15+$0x200];
	v27 =	vmul.bf16 v11, v31  }
0x1bf: {  	s4 =	sadd.s32 $0x11300, s5;
	v31 =	vld [tilespmem:s18+$0x0];
	v22 =	vadd.bf16 v53, v22;
	v20 =	vadd.bf16 v21, v20;
	v21 =	vmul.bf16 v5, v54  }
0x1c0: {  	v25 =	vadd.bf16 v28, v25;
	s18 =	sor.u32 s25, s4;
	v26 =	vadd.bf16 v27, v26;
	v23 =	vmul.bf16 v12, v23;
	v27 =	vld [tilespmem:s15+$0x280]  }
0x1c1: {  	s5 =	sadd.s32 $0x11380, s5;
	v58 =	vld [tilespmem:s18+$0x0];
	v28 =	vshll.u32 v22, $0x10;
	v20 =	vadd.bf16 v21, v20;
	v21 =	vmul.bf16 v6, v55  }
0x1c2: {  	s18 =	sor.u32 s25, s5;
	v22 =	vand.u32 $0xFFFF0000, v22;
	v23 =	vadd.bf16 v23, v26;
	v26 =	vld [tilespmem:s15+$0x300];
	v24 =	vmul.bf16 v13, v24  }
0x1c3: {  	v22 =	vadd.f32 v22, v28;
	v28 =	vld [tilespmem:s18+$0x0];
	v20 =	vadd.bf16 v21, v20;
	v21 =	vmul.bf16 v7, v29  }
0x1c4: {  	v57 =	vshll.u32 v25, $0x10;
	v29 =	vld [tilespmem:s15+$0x380];
	v23 =	vadd.bf16 v24, v23;
	v24 =	vmul.bf16 v14, v30  }
0x1c5: {  	s3 =	sor.u32 s31, s3;
	v25 =	vand.u32 $0xFFFF0000, v25;
	v20 =	vadd.bf16 v21, v20;
	v21 =	vmul.bf16 v9, v27  }
0x1c6: {  	v60 =	vld [tilespmem:s3+$0x0];
	v25 =	vadd.f32 v25, v57;
	v23 =	vadd.bf16 v24, v23;
	v24 =	vmul.bf16 v15, v31  }
0x1c7: {  	s2 =	sor.u32 s31, s2;
	v30 =	vshrl.u32 v22, $0x10;
	v27 =	vld [tilespmem:s30+$0x0];
	v20 =	vadd.bf16 v21, v20;
	v21 =	vmul.bf16 v8, v26  }
0x1c8: {  	v30 =	vand.u32 $0x1, v30;
	v31 =	vld [tilespmem:s2+$0x0];
	v23 =	vadd.bf16 v24, v23;
	v24 =	vmul.bf16 v16, v58  }
0x1c9: {  	s18 =	sand.u32 $0x780, s24;
	v28 =	vmul.bf16 v17, v28;
	v20 =	vadd.bf16 v21, v20;
	v21 =	vmul.bf16 v18, v29  }
0x1ca: {  	s1 =	sor.u32 s31, s1;
	s0 =	sor.u32 s22, s18;
	v22 =	vadd.s32 v30, v22;
	v30 =	vld [tilespmem:s30+$0x100];
	v26 =	vshrl.u32 v25, $0x10;
	v24 =	vadd.bf16 v24, v23  }
0x1cb: {  	v62 =	vmul.bf16 v11, v60;
	s7 =	sor.u32 s31, s6;
	[tilespmem:s0+$0x15800] =	vst v19;
	v19 =	vld [tilespmem:s1+$0x0];
	v26 =	vand.u32 $0x1, v26;
	v21 =	vadd.bf16 v21, v20  }
0x1cc: {  	v29 =	vld [tilespmem:s7+$0x0];
	v61 =	vadd.s32 v26, v25;
	v27 =	vmul.bf16 v3, v27;
	v24 =	vadd.bf16 v28, v24  }
0x1cd: {  	s15 =	sor.u32 s31, s14;
	v26 =	vld [tilespmem:s30+$0x180];
	v31 =	vmul.bf16 v10, v31;
	v20 =	vadd.s32 $0x7FFF, v22;
	v25 =	vshll.u32 v21, $0x10  }
0x1ce: {  	s16 =	sor.u32 s31, s16;
	v23 =	vld [tilespmem:s15+$0x0];
	v21 =	vand.u32 $0xFFFF0000, v21;
	v28 =	vshll.u32 v24, $0x10;
	v24 =	vand.u32 $0xFFFF0000, v24  }
0x1cf: {  	s22 =	sand.u32 $0x780, s28;
	v22 =	vld [tilespmem:s16+$0x0];
	v30 =	vmul.bf16 v5, v30;
	v25 =	vadd.f32 v21, v25;
	v28 =	vadd.f32 v24, v28  }
0x1d0: {  	s24 =	sor.u32 s29, s22;
	v32 =	vadd.bf16 v32, v27;
	v27 =	vld [tilespmem:s30+$0x280];
	v34 =	vadd.bf16 v62, v31;
	v21 =	vadd.s32 $0x7FFF, v61  }
0x1d1: {  	s4 =	sor.u32 s31, s4;
	s28 =	simm.s32 $0x300;
	s22 =	simm.s32 $0x15800;
	[tilespmem:s24+$0x15800] =	vst v36;
	v33 =	vmul.bf16 v12, v29;
	v24 =	vld [tilespmem:s30+$0x200];
	v31 =	vshrl.u32 v25, $0x10;
	v63 =	vshrl.u32 v28, $0x10  }
0x1d2: {  	s29 =	simm.s32 $0x60;
	s24 =	simm.s32 $0x4;
	[tilespmem:s22+$0x0] =	vst v56;
	s2 =	sor.u32 s31, s5;
	v30 =	vadd.bf16 v30, v32;
	v29 =	vld [tilespmem:s30+$0x300];
	v31 =	vand.u32 $0x1, v31;
	v32 =	vand.u32 $0x1, v63  }
.LBB2_7:
0x1d3: {  	s0 =	sand.u32 $0x60, s29;
	s3 =	sand.u32 $0x3C00, s28;
	v33 =	vadd.bf16 v33, v34;
	v34 =	vld [tilespmem:s4+$0x0];
	v25 =	vadd.s32 v31, v25;
	v28 =	vadd.s32 v32, v28  }
0x1d4: {  	v26 =	vmul.bf16 v6, v26;
	s1 =	sadd.s32 $0xD000, s3;
	s4 =	sor.u32 $0x10, s0;
	v31 =	vld [tilespmem:s30+$0x380];
	v25 =	vadd.s32 $0x7FFF, v25;
	v28 =	vadd.s32 $0x7FFF, v28  }
0x1d5: {  	v23 =	vmul.bf16 v13, v23;
	s5 =	sadd.s32 $0x11000, s3;
	s14 =	sor.u32 s4, s1;
	v32 =	vld [tilespmem:s2+$0x0];
	v25 =	vshrl.u32 v25, $0x10;
	v28 =	vand.u32 $0xFFFF0000, v28;
	s2 =	sand.u32 $0x780, s26  }
0x1d6: {  	s24 =	sadd.s32 $0x2, s24;
	v24 =	vmul.bf16 v7, v24;
	s6 =	sor.u32 s4, s5;
	v26 =	vadd.bf16 v26, v30;
	v35 =	vld [tilespmem:s14+$0x0];
	v25 =	vor.u32 v25, v28;
	s2 =	sor.u32 s25, s2  }
0x1d7: {  	p0 =	slt.u32 s24, $0x7E;
	v22 =	vmul.bf16 v14, v22;
	s30 =	sor.u32 s0, s1;
	s1 =	sadd.s32 $0x11080, s3;
	v23 =	vadd.bf16 v23, v33;
	v27 =	vmul.bf16 v9, v27;
	v28 =	vld [tilespmem:s6+$0x0];
	[tilespmem:s2+$0x15800] =	vst v25  }
0x1d8: {  	s15 =	sor.u32 s0, s1;
	s1 =	sor.u32 s4, s1;
	v19 =	vmul.bf16 v15, v19;
	s6 =	sor.u32 s0, s5;
	v24 =	vadd.bf16 v24, v26;
	v26 =	vmul.bf16 v8, v29;
	v25 =	vld [tilespmem:s14+$0x80]  }
0x1d9: {  	s26 =	smov.u32 s29;
	s25 =	smov.u32 s4;
	s2 =	sadd.s32 $0x11100, s3;
	v22 =	vadd.bf16 v22, v23;
	v23 =	vmul.bf16 v16, v34;
	v29 =	vld [tilespmem:s1+$0x0];
	v30 =	vmul.bf16 v18, v31  }
0x1da: {  	v20 =	vshrl.u32 v20, $0x10;
	s5 =	sor.u32 s0, s2;
	s1 =	sor.u32 s25, s2;
	v24 =	vadd.bf16 v27, v24;
	v31 =	vld [tilespmem:s14+$0x100];
	v27 =	vmul.bf16 v17, v32  }
0x1db: {  	v21 =	vand.u32 $0xFFFF0000, v21;
	s2 =	sadd.s32 $0x11180, s3;
	v19 =	vadd.bf16 v19, v22;
	v32 =	vld [tilespmem:s1+$0x0]  }
0x1dc: {  	s22 =	sadd.s32 $0x20, s22;
	v20 =	vor.u32 v20, v21;
	s18 =	sor.u32 s0, s2;
	s1 =	sor.u32 s25, s2;
	v24 =	vadd.bf16 v26, v24;
	v22 =	vld [tilespmem:s14+$0x180]  }
0x1dd: {  	s2 =	sadd.s32 $0x11200, s3;
	v21 =	vmul.bf16 v3, v35;
	v19 =	vadd.bf16 v23, v19;
	v25 =	vmul.bf16 v4, v25;
	v26 =	vld [tilespmem:s1+$0x0];
	[tilespmem:s22+$0x0] =	vst v20  }
0x1de: {  	s1 =	sor.u32 s0, s2;
	v20 =	vmul.bf16 v10, v28;
	s2 =	sor.u32 s25, s2;
	v24 =	vadd.bf16 v30, v24;
	v23 =	vmul.bf16 v11, v29;
	v28 =	vld [tilespmem:s14+$0x200]  }
0x1df: {  	s4 =	sadd.s32 $0x11280, s3;
	v19 =	vadd.bf16 v27, v19;
	v21 =	vadd.bf16 v25, v21;
	v25 =	vmul.bf16 v5, v31;
	v29 =	vld [tilespmem:s2+$0x0]  }
0x1e0: {  	s16 =	sor.u32 s0, s4;
	s2 =	sor.u32 s25, s4;
	v30 =	vshll.u32 v24, $0x10;
	v20 =	vadd.bf16 v23, v20;
	v23 =	vmul.bf16 v12, v32;
	v27 =	vld [tilespmem:s14+$0x280]  }
0x1e1: {  	s7 =	sadd.s32 $0x11300, s3;
	v24 =	vand.u32 $0xFFFF0000, v24;
	v21 =	vadd.bf16 v25, v21;
	v22 =	vmul.bf16 v6, v22;
	v25 =	vld [tilespmem:s2+$0x0]  }
0x1e2: {  	s4 =	sor.u32 s0, s7;
	v31 =	vshll.u32 v19, $0x10;
	s2 =	sor.u32 s25, s7;
	v20 =	vadd.bf16 v23, v20;
	v23 =	vmul.bf16 v13, v26;
	v26 =	vld [tilespmem:s14+$0x300]  }
0x1e3: {  	s3 =	sadd.s32 $0x11380, s3;
	v19 =	vand.u32 $0xFFFF0000, v19;
	v21 =	vadd.bf16 v22, v21;
	v22 =	vmul.bf16 v7, v28;
	v28 =	vld [tilespmem:s2+$0x0]  }
0x1e4: {  	v24 =	vadd.f32 v24, v30;
	s2 =	sor.u32 s0, s3;
	s0 =	sor.u32 s25, s3;
	v20 =	vadd.bf16 v23, v20;
	v23 =	vmul.bf16 v14, v29;
	v29 =	vld [tilespmem:s14+$0x380]  }
0x1e5: {  	v19 =	vadd.f32 v19, v31;
	v21 =	vadd.bf16 v22, v21;
	v22 =	vmul.bf16 v9, v27;
	v27 =	vld [tilespmem:s0+$0x0]  }
0x1e6: {  	v30 =	vld [tilespmem:s30+$0x0];
	v20 =	vadd.bf16 v23, v20;
	v23 =	vmul.bf16 v15, v25;
	v25 =	vshrl.u32 v24, $0x10  }
0x1e7: {  	v31 =	vld [tilespmem:s6+$0x0];
	v21 =	vadd.bf16 v22, v21;
	v22 =	vmul.bf16 v8, v26;
	v26 =	vshrl.u32 v19, $0x10  }
0x1e8: {  	v25 =	vand.u32 $0x1, v25;
	v32 =	vld [tilespmem:s30+$0x80];
	v20 =	vadd.bf16 v23, v20;
	v23 =	vmul.bf16 v16, v28  }
0x1e9: {  	v26 =	vand.u32 $0x1, v26;
	v28 =	vld [tilespmem:s15+$0x0];
	v21 =	vadd.bf16 v22, v21;
	v22 =	vmul.bf16 v18, v29  }
0x1ea: {  	v24 =	vadd.s32 v25, v24;
	v29 =	vld [tilespmem:s30+$0x100];
	v20 =	vadd.bf16 v23, v20;
	v23 =	vmul.bf16 v17, v27  }
0x1eb: {  	v19 =	vadd.s32 v26, v19;
	v27 =	vmul.bf16 v3, v30;
	v30 =	vld [tilespmem:s5+$0x0];
	v22 =	vadd.bf16 v22, v21  }
0x1ec: {  	v31 =	vmul.bf16 v10, v31;
	v26 =	vld [tilespmem:s30+$0x180];
	v25 =	vadd.bf16 v23, v20;
	v20 =	vadd.s32 $0x7FFF, v24  }
0x1ed: {  	v21 =	vadd.s32 $0x7FFF, v19;
	v32 =	vmul.bf16 v4, v32;
	v23 =	vld [tilespmem:s18+$0x0];
	v33 =	vshll.u32 v22, $0x10  }
.Ltmp2:
0x1ee: {  	v19 =	vand.u32 $0xFFFF0000, v22;
	v24 =	vld [tilespmem:s30+$0x200];
	v34 =	vshll.u32 v25, $0x10;
	v35 =	vand.u32 $0xFFFF0000, v25;
	(pc) =	sbr.rel @p0 .LBB2_7-.Ltmp2, $4  }
0x1ef: {  	v36 =	vmul.bf16 v11, v28;
	v25 =	vadd.f32 v19, v33;
	v22 =	vld [tilespmem:s1+$0x0];
	v28 =	vadd.f32 v35, v34  }
0x1f0: {  	v32 =	vadd.bf16 v32, v27;
	v29 =	vmul.bf16 v5, v29;
	v33 =	vmul.bf16 v12, v30;
	v27 =	vld [tilespmem:s30+$0x280]  }
0x1f1: {  	v34 =	vadd.bf16 v36, v31;
	v31 =	vshrl.u32 v25, $0x10;
	v19 =	vld [tilespmem:s16+$0x0];
	v35 =	vshrl.u32 v28, $0x10  }
0x1f2: {  	s28 =	sadd.s32 $0x100, s28;
	s29 =	sadd.s32 $0x20, s29;
	v30 =	vadd.bf16 v29, v32;
	v31 =	vand.u32 $0x1, v31;
	v29 =	vld [tilespmem:s30+$0x300];
	v32 =	vand.u32 $0x1, v35  }
0x1f3: {  	v3 =	vmul.bf16 v6, v26  }
0x1f4: {  	v4 =	vadd.bf16 v33, v34;
	v5 =	vmul.bf16 v13, v23  }
0x1f5: {  	v50 =	vld [tilespmem:s4+$0x0];
	v7 =	vmul.bf16 v7, v24;
	v3 =	vadd.bf16 v3, v30  }
0x1f6: {  	v10 =	vld [tilespmem:s30+$0x380];
	v51 =	vmul.bf16 v14, v22;
	v4 =	vadd.bf16 v5, v4  }
0x1f7: {  	v11 =	vld [tilespmem:s2+$0x0];
	v9 =	vmul.bf16 v9, v27;
	v3 =	vadd.bf16 v7, v3  }
0x1f8: {  	v52 =	vmul.bf16 v15, v19;
	v4 =	vadd.bf16 v51, v4  }
0x1f9: {  	v53 =	vmul.bf16 v8, v29;
	v3 =	vadd.bf16 v9, v3  }
0x1fa: {  	v6 =	vmul.bf16 v16, v50;
	v4 =	vadd.bf16 v52, v4  }
0x1fb: {  	v54 =	vmul.bf16 v18, v10;
	v3 =	vadd.bf16 v53, v3  }
0x1fc: {  	v55 =	vmul.bf16 v17, v11;
	v4 =	vadd.bf16 v6, v4  }
0x1fd: {  	v3 =	vadd.bf16 v54, v3  }
0x1fe: {  	v4 =	vadd.bf16 v55, v4  }
0x1ff: {  	v61 =	vshrl.u32 v20, $0x10;
	v7 =	vshll.u32 v3, $0x10  }
0x200: {  	v3 =	vand.u32 $0xFFFF0000, v3;
	v58 =	vshll.u32 v4, $0x10;
	v4 =	vand.u32 $0xFFFF0000, v4  }
0x201: {  	v62 =	vand.u32 $0xFFFF0000, v21;
	v3 =	vadd.f32 v3, v7;
	v4 =	vadd.f32 v4, v58  }
0x202: {  	v56 =	vadd.s32 v31, v25;
	v57 =	vadd.s32 v32, v28;
	v63 =	vor.u32 v61, v62  }
0x203: {  	v5 =	vadd.s32 $0x7FFF, v56;
	v7 =	vshrl.u32 v3, $0x10;
	v8 =	vshrl.u32 v4, $0x10  }
0x204: {  	v5 =	vshrl.u32 v5, $0x10;
	v59 =	vand.u32 $0x1, v7;
	v60 =	vand.u32 $0x1, v8  }
0x205: {  	s0 =	sand.u32 $0x780, s26;
	s1 =	sand.u32 $0x30, s21;
	s26 =	rddreg [dreg:$0x3];
	v6 =	vadd.s32 $0x7FFF, v57;
	v3 =	vadd.s32 v59, v3;
	v4 =	vadd.s32 v60, v4  }
0x206: {  	s29 =	simm.s32 $0x80;
	s0 =	sor.u32 s25, s0;
	s25 =	sadd.s32 $0x20, s22;
	v6 =	vand.u32 $0xFFFF0000, v6;
	v3 =	vadd.s32 $0x7FFF, v3;
	v4 =	vadd.s32 $0x7FFF, v4  }
0x207: {  	s30 =	simm.s32 $0x200;
	s3 =	simm.s32 $0x15800;
	s20 =	sadd.s32 $0x1, s20;
	[tilespmem:s25+$0x0] =	vst v63;
	v5 =	vor.u32 v5, v6;
	v3 =	vshrl.u32 v3, $0x10;
	v4 =	vand.u32 $0xFFFF0000, v4  }
0x208: {  	s2 =	sadd.s32 s26, s23;
	p0 =	sne.s32 s20, $0x40;
	[tilespmem:s0+$0x15800] =	vst v5;
	s0 =	sadd.s32 $0x20, s25;
	v3 =	vor.u32 v3, v4  }
.Ltmp3:
0x209: {  	s31 =	simm.s32 $0x3;
	s28 =	sadd.s32 s1, s2;
	[tilespmem:s0+$0x0] =	vst v3;
	(pc) =	sbr.rel @p0 .LBB2_4-.Ltmp3, $4  }
0x20a: {  	[hbm4b:s28+s29] =	stream.strided.scatter [tilespmem:s3], [sflag:$0x3], $0x800, s30, s29, $0x38;
	[tilespmem:$0x16000] =	vst v63  }
0x20b: {  	_ =	swait.ge [sflag:s31], $0x800  }
0x20c: {  	[sflag:s31] =	ssyncset.done $0x0  }
0x20d: {  	[sflag:s31] =	ssyncadd.s32 $0xFFFFF800  }
0x20e: {  	s1 =	simm.s32 $0x1  }
0x20f: {  	_ =	swait.ge [sflag:s1], $0x8000  }
0x210: {  	s2 =	rddreg [dreg:$0xa]  }
0x211: {  	s0 =	rddreg [dreg:$0x9];
	s2 =	sadd.s32 $0x1, s2  }
0x212: {  	p0 =	sne.s32 s2, s0  }
.Ltmp4:
0x213: {  	_ = 	snop;
	(pc) =	sbr.rel @p0 .LBB2_1-.Ltmp4, $3  }
0x214: {  	_ =	sdelay $0x1  }
0x215: {  	[sflag:s1] =	ssyncset.done $0x0  }
0x216: {  	[sflag:s1] =	ssyncadd.s32 $0xFFFF8000  }
0x217: {  	_ =	sfence.sel $0x180000  }
0x218: {  	[bflag:$0x0] =	sbarrier.arrive $0xFFFF  }
0x219: {  	_ =	strace $0x90000047  }
0x21a: {  	s0 =	stileid.u32;
	[bflag:$0x2] =	sbarrier.arrive $0xFFFF  }
0x21b: {  	p0 =	sne.s32 s0, $0x0;
	s0 =	rddreg [dreg:$0x4]  }
0x21c: {  	s0 =	sadd.s32 @!p0 $0x100000, s0  }
0x21d: {  	[sflag:s0] =	ssyncadd.tile.s32 @!p0 $0x1;
	_ =	shalt  }
.Lfunc_end2:
_tile_overlayer_lowered:
.L_overlay_start_2:
0x21e: {  	(tag) =	ssettag $0x2  }
0x21f: {  	s0 =	rddreg [dreg:$0x0];
	s2 =	stileid.u32  }
0x220: {  	s1 =	rddreg [dreg:$0x1];
	p0 =	sne.s32 s2, $0x0  }
0x221: {  	s3 =	rddreg [dreg:$0x2];
	[bflag:$0x3] =	sbarrier.arrive $0xFFFF;
	s2 =	simm.s32 @!p0 $0x1C03  }
0x222: {  	[timem:s3], [sflag:s2] =	dma.local @!p0 [hbm:s0], s1  }
0x223: {  	s0 =	simm.s32 @!p0 $0x3  }
0x224: {  	_ =	swait.ge @!p0 [sflag:s0], s1  }
0x225: {  	s1 =	ssub.s32 @!p0 $0x0, s1;
	[sflag:s0] =	ssyncset.done @!p0 $0x0  }
0x226: {  	[sflag:s0] =	ssyncadd.s32 @!p0 s1  }
0x227: {  	[bflag:$0x3] =	sbarrier.arrive $0xFFFF  }
0x228: {  	_ =	shalt  }

</sc_bundles>
